<compile_context>
chip_gen: v7x
topology: tpu7x:2x2x1
jax: 0.10.2.dev20260603
libtpu: 0.0.44.dev20260713+nightly
codegen_flags: <defaults>
</compile_context>

<pallas_src>
import functools

import jax
import jax.numpy as jnp
from jax import lax
from jax.experimental import pallas as pl
from jax.experimental.pallas import tpu as pltpu
from jax.experimental.pallas import tpu_sc as plsc

D = 300
DP = 384
C = 128


@functools.lru_cache(maxsize=None)
def _make_kernel(B):
    info = plsc.get_sparse_core_info()
    NC, NS = info.num_cores, info.num_subcores
    NW = NC * NS
    assert B % (NW * C) == 0
    b_per_w = B // NW
    n_chunks = b_per_w // C

    mesh = plsc.VectorSubcoreMesh(core_axis_name="c", subcore_axis_name="s")

    @functools.partial(
        pl.kernel,
        mesh=mesh,
        out_type=jax.ShapeDtypeStruct((B, DP), jnp.float32),
        scratch_types=[
            pltpu.VMEM((2, C), jnp.int32),
            pltpu.VMEM((2, C, DP), jnp.float32),
            pltpu.SemaphoreType.DMA,
            pltpu.SemaphoreType.DMA,
            pltpu.SemaphoreType.DMA,
            pltpu.SemaphoreType.DMA,
            pltpu.SemaphoreType.DMA,
        ],
        compiler_params=pltpu.CompilerParams(use_tc_tiling_on_sc=True),
    )
    def k(idx_hbm, table_hbm, out_hbm, idx_v, rows_v, isem, g0, g1, o0, o1):
        wid = lax.axis_index("s") * NC + lax.axis_index("c")
        base = wid * b_per_w
        gsem = (g0, g1)
        osem = (o0, o1)

        def wait_idx(b):
            pltpu.make_async_copy(
                idx_hbm.at[pl.ds(base, C)], idx_v.at[b], isem
            ).wait()

        def drain_store(b):
            pltpu.make_async_copy(
                rows_v.at[b], out_hbm.at[pl.ds(base, C)], osem[b]
            ).wait()

        def wait_gather(b):
            pltpu.make_async_copy(
                table_hbm.at[idx_v.at[b]], rows_v.at[b], gsem[b]
            ).wait()

        pltpu.async_copy(idx_hbm.at[pl.ds(base, C)], idx_v.at[0], isem)
        wait_idx(0)
        pltpu.async_copy(table_hbm.at[idx_v.at[0]], rows_v.at[0], gsem[0])
        pltpu.async_copy(idx_hbm.at[pl.ds(base + C, C)], idx_v.at[1], isem)

        def body(i, carry):
            for b in range(2):
                c = 2 * i + b
                nb = 1 - b

                @pl.when(c + 1 < n_chunks)
                def _():
                    wait_idx(nb)
                    @pl.when(c >= 1)
                    def _():
                        drain_store(nb)

                    pltpu.async_copy(
                        table_hbm.at[idx_v.at[nb]], rows_v.at[nb], gsem[nb]
                    )

                wait_gather(b)

                @pl.when(c + 2 < n_chunks)
                def _():
                    pltpu.async_copy(
                        idx_hbm.at[pl.ds(base + (c + 2) * C, C)],
                        idx_v.at[b],
                        isem,
                    )

                pltpu.async_copy(
                    rows_v.at[b], out_hbm.at[pl.ds(base + c * C, C)], osem[b]
                )
            return carry

        lax.fori_loop(0, n_chunks // 2, body, 0)
        drain_store(0)
        drain_store(1)

    return k


def kernel(x, table):
    bsz, seq = x.shape
    B = bsz * seq
    idx = x.reshape(B).astype(jnp.int32)
    table_p = jnp.pad(table, ((0, 0), (0, DP - D)))
    out = _make_kernel(B)(idx, table_p)
    return out[:, :D].reshape(bsz, seq, D)

# --- scband reference (transcript-rebuilt; emitter-appended) ---
"""Pipeline reference for scband-glove-78512002171521 (READ-ONLY COPY).

The authoritative reference and input builder live on the scoring server;
editing this copy changes nothing except your own understanding.
"""

import jax, jax.numpy as jnp
import numpy as np

VOCAB = 100000
EMBED_DIM = 300
BATCH = 4096
SEQ = 200

def setup_inputs(seed: int = 0) -> dict:
    key = jax.random.key(seed)
    k_idx, k_tab = jax.random.split(key)
    x = jax.random.randint(k_idx, (BATCH, SEQ), 0, VOCAB, dtype=jnp.int64 if jax.config.jax_enable_x64 else jnp.int32)
    # Pretrained-style table: uniform(-1, 1) like the torch init before glove overwrite
    table = jax.random.uniform(k_tab, (VOCAB, EMBED_DIM), dtype=jnp.float32, minval=-1.0, maxval=1.0)
    # PAD row (token 0 by convention) zeroed, mimicking '<PAD>' handling
    table = table.at[0].set(jnp.zeros((EMBED_DIM,), dtype=jnp.float32))
    return {"x": x, "table": table}

def reference(x, table):
    # nn.Embedding.from_pretrained(...) forward: gather rows of the table
    return jnp.take(table, x, axis=0)

if __name__ == "__main__":
    import jax
    _d = setup_inputs()
    print(jax.jit(kernel)(*tuple(_d.values())))

</pallas_src>

<mosaic_0001>
#map = affine_map<(d0, d1) -> (0)>
#map1 = affine_map<(d0, d1) -> (0, 0)>
module attributes {stable_mosaic.version = 14 : i64} {
  func.func @k(%arg0: i32, %arg1: i32, %arg2: memref<819200xi32, #tpu.memory_space<hbm>>, %arg3: memref<100000x384xf32, #tpu.memory_space<hbm>>, %arg4: memref<819200x384xf32, #tpu.memory_space<hbm>>, %arg5: memref<2x128xi32, #tpu.memory_space<vmem>>, %arg6: memref<2x128x384xf32, #tpu.memory_space<vmem>>, %arg7: memref<!tpu.dma_semaphore, #tpu.memory_space<semaphore_mem>>, %arg8: memref<!tpu.dma_semaphore, #tpu.memory_space<semaphore_mem>>, %arg9: memref<!tpu.dma_semaphore, #tpu.memory_space<semaphore_mem>>, %arg10: memref<!tpu.dma_semaphore, #tpu.memory_space<semaphore_mem>>, %arg11: memref<!tpu.dma_semaphore, #tpu.memory_space<semaphore_mem>>) attributes {dimension_semantics = [#tpu.dimension_semantics<core_parallel>, #tpu.dimension_semantics<subcore_parallel>], iteration_bounds = array<i64: 2, 16>, scalar_prefetch = 0 : i64, scratch_operands = 7 : i64, tpu.core_type = #tpu.core_type<sc_vector_subcore>, window_params = [{transform_indices = #map}, {transform_indices = #map1}, {transform_indices = #map1}]} {
    %mul3A = arith.constant 2 : i32
    %mul3A_0 = arith.muli %arg1, %mul3A : i32
    %add3A = arith.addi %mul3A_0, %arg0 : i32
    %mul3A_1 = arith.constant 25600 : i32
    %mul3A_2 = arith.muli %add3A, %mul3A_1 : i32
    %dma_start3A = arith.constant 0 : i32
    %dma_start3A_3 = arith.constant 0 : i32
    %dma_start3A_4 = tpu.memref_slice %arg5[%dma_start3A, %dma_start3A_3] : memref<2x128xi32, #tpu.memory_space<vmem>> -> memref<1x128xi32, #tpu.memory_space<vmem>>
    %dma_start3A_5 = tpu.memref_squeeze %dma_start3A_4 : memref<1x128xi32, #tpu.memory_space<vmem>> -> memref<128xi32, #tpu.memory_space<vmem>>
    %dma_start3A_6 = tpu.memref_slice %arg2[%mul3A_2] : memref<819200xi32, #tpu.memory_space<hbm>> -> memref<128xi32, #tpu.memory_space<hbm>>
    %dma_start3A_7 = arith.constant 0 : i32
    %dma_start3A_8 = tpu.memref_slice %arg5[%dma_start3A, %dma_start3A_7] : memref<2x128xi32, #tpu.memory_space<vmem>> -> memref<1x128xi32, #tpu.memory_space<vmem>>
    %dma_start3A_9 = tpu.memref_squeeze %dma_start3A_8 : memref<1x128xi32, #tpu.memory_space<vmem>> -> memref<128xi32, #tpu.memory_space<vmem>>
    %dma_start3A_10 = tpu.memref_slice %arg2[%mul3A_2] : memref<819200xi32, #tpu.memory_space<hbm>> -> memref<128xi32, #tpu.memory_space<hbm>>
    tpu.enqueue_dma source(%dma_start3A_10 : memref<128xi32, #tpu.memory_space<hbm>>) target(%dma_start3A_9 : memref<128xi32, #tpu.memory_space<vmem>>) target_semaphore(%arg7 : memref<!tpu.dma_semaphore, #tpu.memory_space<semaphore_mem>>)
    %dma_wait3A = arith.constant 0 : i32
    %dma_wait3A_11 = arith.constant 0 : i32
    %dma_wait3A_12 = tpu.memref_slice %arg5[%dma_wait3A, %dma_wait3A_11] : memref<2x128xi32, #tpu.memory_space<vmem>> -> memref<1x128xi32, #tpu.memory_space<vmem>>
    %dma_wait3A_13 = tpu.memref_squeeze %dma_wait3A_12 : memref<1x128xi32, #tpu.memory_space<vmem>> -> memref<128xi32, #tpu.memory_space<vmem>>
    %dma_wait3A_14 = tpu.memref_slice %arg2[%mul3A_2] : memref<819200xi32, #tpu.memory_space<hbm>> -> memref<128xi32, #tpu.memory_space<hbm>>
    %dma_wait3A_15 = arith.constant 0 : i32
    %dma_wait3A_16 = tpu.memref_slice %arg5[%dma_wait3A, %dma_wait3A_15] : memref<2x128xi32, #tpu.memory_space<vmem>> -> memref<1x128xi32, #tpu.memory_space<vmem>>
    %dma_wait3A_17 = tpu.memref_squeeze %dma_wait3A_16 : memref<1x128xi32, #tpu.memory_space<vmem>> -> memref<128xi32, #tpu.memory_space<vmem>>
    %dma_wait3A_18 = tpu.memref_slice %arg2[%mul3A_2] : memref<819200xi32, #tpu.memory_space<hbm>> -> memref<128xi32, #tpu.memory_space<hbm>>
    tpu.wait_dma2 semaphore(%arg7 : memref<!tpu.dma_semaphore, #tpu.memory_space<semaphore_mem>>) src(%dma_wait3A_18 : memref<128xi32, #tpu.memory_space<hbm>>) dst(%dma_wait3A_17 : memref<128xi32, #tpu.memory_space<vmem>>)
    %dma_start3A_19 = arith.constant 0 : i32
    %dma_start3A_20 = arith.constant 0 : i32
    %dma_start3A_21 = arith.constant 0 : i32
    %dma_start3A_22 = arith.constant 0 : i32
    %dma_start3A_23 = tpu.memref_slice %arg6[%dma_start3A_20, %dma_start3A_21, %dma_start3A_22] : memref<2x128x384xf32, #tpu.memory_space<vmem>> -> memref<1x128x384xf32, #tpu.memory_space<vmem>>
    %dma_start3A_24 = tpu.memref_squeeze %dma_start3A_23 : memref<1x128x384xf32, #tpu.memory_space<vmem>> -> memref<128x384xf32, #tpu.memory_space<vmem>>
    %dma_start3A_25 = arith.constant 0 : i32
    %dma_start3A_26 = tpu.memref_slice %arg5[%dma_start3A_19, %dma_start3A_25] : memref<2x128xi32, #tpu.memory_space<vmem>> -> memref<1x128xi32, #tpu.memory_space<vmem>>
    %dma_start3A_27 = tpu.memref_squeeze %dma_start3A_26 : memref<1x128xi32, #tpu.memory_space<vmem>> -> memref<128xi32, #tpu.memory_space<vmem>>
    %dma_start3A_28 = arith.constant 0 : i32
    %dma_start3A_29 = arith.constant 0 : i32
    %dma_start3A_30 = tpu.memref_slice %arg3[%dma_start3A_28, %dma_start3A_29] : memref<100000x384xf32, #tpu.memory_space<hbm>> -> memref<100000x384xf32, #tpu.memory_space<hbm>>
    tpu.enqueue_indirect_dma source(%dma_start3A_30 : memref<100000x384xf32, #tpu.memory_space<hbm>>) target(%dma_start3A_24 : memref<128x384xf32, #tpu.memory_space<vmem>>) offsets(%dma_start3A_27 : memref<128xi32, #tpu.memory_space<vmem>>) semaphore(%arg8 : memref<!tpu.dma_semaphore, #tpu.memory_space<semaphore_mem>>)
    %add3A_31 = arith.constant 128 : i32
    %add3A_32 = arith.addi %mul3A_2, %add3A_31 : i32
    %dma_start3A_33 = arith.constant 1 : i32
    %dma_start3A_34 = arith.constant 0 : i32
    %dma_start3A_35 = tpu.memref_slice %arg5[%dma_start3A_33, %dma_start3A_34] : memref<2x128xi32, #tpu.memory_space<vmem>> -> memref<1x128xi32, #tpu.memory_space<vmem>>
    %dma_start3A_36 = tpu.memref_squeeze %dma_start3A_35 : memref<1x128xi32, #tpu.memory_space<vmem>> -> memref<128xi32, #tpu.memory_space<vmem>>
    %dma_start3A_37 = tpu.memref_slice %arg2[%add3A_32] : memref<819200xi32, #tpu.memory_space<hbm>> -> memref<128xi32, #tpu.memory_space<hbm>>
    %dma_start3A_38 = arith.constant 0 : i32
    %dma_start3A_39 = tpu.memref_slice %arg5[%dma_start3A_33, %dma_start3A_38] : memref<2x128xi32, #tpu.memory_space<vmem>> -> memref<1x128xi32, #tpu.memory_space<vmem>>
    %dma_start3A_40 = tpu.memref_squeeze %dma_start3A_39 : memref<1x128xi32, #tpu.memory_space<vmem>> -> memref<128xi32, #tpu.memory_space<vmem>>
    %dma_start3A_41 = tpu.memref_slice %arg2[%add3A_32] : memref<819200xi32, #tpu.memory_space<hbm>> -> memref<128xi32, #tpu.memory_space<hbm>>
    tpu.enqueue_dma source(%dma_start3A_41 : memref<128xi32, #tpu.memory_space<hbm>>) target(%dma_start3A_40 : memref<128xi32, #tpu.memory_space<vmem>>) target_semaphore(%arg7 : memref<!tpu.dma_semaphore, #tpu.memory_space<semaphore_mem>>)
    %scan3A = arith.constant 0 : i32
    %scan3A_42 = arith.constant 0 : i32
    %scan3A_43 = arith.constant 100 : i32
    %scan3A_44 = arith.addi %scan3A_42, %scan3A_43 : i32
    %scan3A_45 = arith.constant 1 : i32
    scf.for %scan3A_73 = %scan3A_42 to %scan3A_44 step %scan3A_45  : i32 {
      %mul3A_74 = arith.constant 2 : i32
      %mul3A_75 = arith.muli %mul3A_74, %scan3A_73 : i32
      %add3A_76 = arith.constant 0 : i32
      %add3A_77 = arith.addi %mul3A_75, %add3A_76 : i32
      %add3A_78 = arith.constant 1 : i32
      %add3A_79 = arith.addi %add3A_77, %add3A_78 : i32
      %lt3A = arith.constant 200 : i32
      %lt3A_80 = arith.cmpi slt, %add3A_79, %lt3A : i32
      %convert_element_type3A = arith.extui %lt3A_80 : i1 to i32
      %cond3A = arith.constant 0 : i32
      %cond3A_81 = arith.cmpi ne, %convert_element_type3A, %cond3A : i32
      scf.if %cond3A_81 {
        %dma_wait3A_163 = arith.constant 1 : i32
        %dma_wait3A_164 = arith.constant 0 : i32
        %dma_wait3A_165 = tpu.memref_slice %arg5[%dma_wait3A_163, %dma_wait3A_164] : memref<2x128xi32, #tpu.memory_space<vmem>> -> memref<1x128xi32, #tpu.memory_space<vmem>>
        %dma_wait3A_166 = tpu.memref_squeeze %dma_wait3A_165 : memref<1x128xi32, #tpu.memory_space<vmem>> -> memref<128xi32, #tpu.memory_space<vmem>>
        %dma_wait3A_167 = tpu.memref_slice %arg2[%mul3A_2] : memref<819200xi32, #tpu.memory_space<hbm>> -> memref<128xi32, #tpu.memory_space<hbm>>
        %dma_wait3A_168 = arith.constant 0 : i32
        %dma_wait3A_169 = tpu.memref_slice %arg5[%dma_wait3A_163, %dma_wait3A_168] : memref<2x128xi32, #tpu.memory_space<vmem>> -> memref<1x128xi32, #tpu.memory_space<vmem>>
        %dma_wait3A_170 = tpu.memref_squeeze %dma_wait3A_169 : memref<1x128xi32, #tpu.memory_space<vmem>> -> memref<128xi32, #tpu.memory_space<vmem>>
        %dma_wait3A_171 = tpu.memref_slice %arg2[%mul3A_2] : memref<819200xi32, #tpu.memory_space<hbm>> -> memref<128xi32, #tpu.memory_space<hbm>>
        tpu.wait_dma2 semaphore(%arg7 : memref<!tpu.dma_semaphore, #tpu.memory_space<semaphore_mem>>) src(%dma_wait3A_171 : memref<128xi32, #tpu.memory_space<hbm>>) dst(%dma_wait3A_170 : memref<128xi32, #tpu.memory_space<vmem>>)
        %ge3A = arith.constant 1 : i32
        %ge3A_172 = arith.cmpi sge, %add3A_77, %ge3A : i32
        %convert_element_type3A_173 = arith.extui %ge3A_172 : i1 to i32
        %cond3A_174 = arith.constant 0 : i32
        %cond3A_175 = arith.cmpi ne, %convert_element_type3A_173, %cond3A_174 : i32
        scf.if %cond3A_175 {
          %dma_wait3A_188 = arith.constant 1 : i32
          %dma_wait3A_189 = arith.constant 0 : i32
          %dma_wait3A_190 = arith.constant 0 : i32
          %dma_wait3A_191 = tpu.memref_slice %arg6[%dma_wait3A_188, %dma_wait3A_189, %dma_wait3A_190] : memref<2x128x384xf32, #tpu.memory_space<vmem>> -> memref<1x128x384xf32, #tpu.memory_space<vmem>>
          %dma_wait3A_192 = tpu.memref_squeeze %dma_wait3A_191 : memref<1x128x384xf32, #tpu.memory_space<vmem>> -> memref<128x384xf32, #tpu.memory_space<vmem>>
          %dma_wait3A_193 = arith.constant 0 : i32
          %dma_wait3A_194 = tpu.memref_slice %arg4[%mul3A_2, %dma_wait3A_193] : memref<819200x384xf32, #tpu.memory_space<hbm>> -> memref<128x384xf32, #tpu.memory_space<hbm>>
          %dma_wait3A_195 = arith.constant 0 : i32
          %dma_wait3A_196 = tpu.memref_slice %arg4[%mul3A_2, %dma_wait3A_195] : memref<819200x384xf32, #tpu.memory_space<hbm>> -> memref<128x384xf32, #tpu.memory_space<hbm>>
          %dma_wait3A_197 = arith.constant 0 : i32
          %dma_wait3A_198 = arith.constant 0 : i32
          %dma_wait3A_199 = tpu.memref_slice %arg6[%dma_wait3A_188, %dma_wait3A_197, %dma_wait3A_198] : memref<2x128x384xf32, #tpu.memory_space<vmem>> -> memref<1x128x384xf32, #tpu.memory_space<vmem>>
          %dma_wait3A_200 = tpu.memref_squeeze %dma_wait3A_199 : memref<1x128x384xf32, #tpu.memory_space<vmem>> -> memref<128x384xf32, #tpu.memory_space<vmem>>
          tpu.wait_dma2 semaphore(%arg11 : memref<!tpu.dma_semaphore, #tpu.memory_space<semaphore_mem>>) src(%dma_wait3A_200 : memref<128x384xf32, #tpu.memory_space<vmem>>) dst(%dma_wait3A_196 : memref<128x384xf32, #tpu.memory_space<hbm>>)
        } else {
        }
        %dma_start3A_176 = arith.constant 1 : i32
        %dma_start3A_177 = arith.constant 1 : i32
        %dma_start3A_178 = arith.constant 0 : i32
        %dma_start3A_179 = arith.constant 0 : i32
        %dma_start3A_180 = tpu.memref_slice %arg6[%dma_start3A_177, %dma_start3A_178, %dma_start3A_179] : memref<2x128x384xf32, #tpu.memory_space<vmem>> -> memref<1x128x384xf32, #tpu.memory_space<vmem>>
        %dma_start3A_181 = tpu.memref_squeeze %dma_start3A_180 : memref<1x128x384xf32, #tpu.memory_space<vmem>> -> memref<128x384xf32, #tpu.memory_space<vmem>>
        %dma_start3A_182 = arith.constant 0 : i32
        %dma_start3A_183 = tpu.memref_slice %arg5[%dma_start3A_176, %dma_start3A_182] : memref<2x128xi32, #tpu.memory_space<vmem>> -> memref<1x128xi32, #tpu.memory_space<vmem>>
        %dma_start3A_184 = tpu.memref_squeeze %dma_start3A_183 : memref<1x128xi32, #tpu.memory_space<vmem>> -> memref<128xi32, #tpu.memory_space<vmem>>
        %dma_start3A_185 = arith.constant 0 : i32
        %dma_start3A_186 = arith.constant 0 : i32
        %dma_start3A_187 = tpu.memref_slice %arg3[%dma_start3A_185, %dma_start3A_186] : memref<100000x384xf32, #tpu.memory_space<hbm>> -> memref<100000x384xf32, #tpu.memory_space<hbm>>
        tpu.enqueue_indirect_dma source(%dma_start3A_187 : memref<100000x384xf32, #tpu.memory_space<hbm>>) target(%dma_start3A_181 : memref<128x384xf32, #tpu.memory_space<vmem>>) offsets(%dma_start3A_184 : memref<128xi32, #tpu.memory_space<vmem>>) semaphore(%arg9 : memref<!tpu.dma_semaphore, #tpu.memory_space<semaphore_mem>>)
      } else {
      }
      %dma_wait3A_82 = arith.constant 0 : i32
      %dma_wait3A_83 = arith.constant 0 : i32
      %dma_wait3A_84 = arith.constant 0 : i32
      %dma_wait3A_85 = arith.constant 0 : i32
      %dma_wait3A_86 = tpu.memref_slice %arg6[%dma_wait3A_83, %dma_wait3A_84, %dma_wait3A_85] : memref<2x128x384xf32, #tpu.memory_space<vmem>> -> memref<1x128x384xf32, #tpu.memory_space<vmem>>
      %dma_wait3A_87 = tpu.memref_squeeze %dma_wait3A_86 : memref<1x128x384xf32, #tpu.memory_space<vmem>> -> memref<128x384xf32, #tpu.memory_space<vmem>>
      %dma_wait3A_88 = arith.constant 0 : i32
      %dma_wait3A_89 = tpu.memref_slice %arg5[%dma_wait3A_82, %dma_wait3A_88] : memref<2x128xi32, #tpu.memory_space<vmem>> -> memref<1x128xi32, #tpu.memory_space<vmem>>
      %dma_wait3A_90 = tpu.memref_squeeze %dma_wait3A_89 : memref<1x128xi32, #tpu.memory_space<vmem>> -> memref<128xi32, #tpu.memory_space<vmem>>
      %dma_wait3A_91 = arith.constant 0 : i32
      %dma_wait3A_92 = arith.constant 0 : i32
      %dma_wait3A_93 = tpu.memref_slice %arg3[%dma_wait3A_91, %dma_wait3A_92] : memref<100000x384xf32, #tpu.memory_space<hbm>> -> memref<100000x384xf32, #tpu.memory_space<hbm>>
      tpu.wait_indirect_dma semaphore(%arg8 : memref<!tpu.dma_semaphore, #tpu.memory_space<semaphore_mem>>) src(%dma_wait3A_93 : memref<100000x384xf32, #tpu.memory_space<hbm>>) dst(%dma_wait3A_87 : memref<128x384xf32, #tpu.memory_space<vmem>>)
      %add3A_94 = arith.constant 2 : i32
      %add3A_95 = arith.addi %add3A_77, %add3A_94 : i32
      %lt3A_96 = arith.constant 200 : i32
      %lt3A_97 = arith.cmpi slt, %add3A_95, %lt3A_96 : i32
      %convert_element_type3A_98 = arith.extui %lt3A_97 : i1 to i32
      %cond3A_99 = arith.constant 0 : i32
      %cond3A_100 = arith.cmpi ne, %convert_element_type3A_98, %cond3A_99 : i32
      scf.if %cond3A_100 {
        %add3A_163 = arith.constant 2 : i32
        %add3A_164 = arith.addi %add3A_77, %add3A_163 : i32
        %mul3A_165 = arith.constant 128 : i32
        %mul3A_166 = arith.muli %add3A_164, %mul3A_165 : i32
        %add3A_167 = arith.addi %mul3A_2, %mul3A_166 : i32
        %dma_start3A_168 = arith.constant 0 : i32
        %dma_start3A_169 = arith.constant 0 : i32
        %dma_start3A_170 = tpu.memref_slice %arg5[%dma_start3A_168, %dma_start3A_169] : memref<2x128xi32, #tpu.memory_space<vmem>> -> memref<1x128xi32, #tpu.memory_space<vmem>>
        %dma_start3A_171 = tpu.memref_squeeze %dma_start3A_170 : memref<1x128xi32, #tpu.memory_space<vmem>> -> memref<128xi32, #tpu.memory_space<vmem>>
        %dma_start3A_172 = tpu.memref_slice %arg2[%add3A_167] : memref<819200xi32, #tpu.memory_space<hbm>> -> memref<128xi32, #tpu.memory_space<hbm>>
        %dma_start3A_173 = arith.constant 0 : i32
        %dma_start3A_174 = tpu.memref_slice %arg5[%dma_start3A_168, %dma_start3A_173] : memref<2x128xi32, #tpu.memory_space<vmem>> -> memref<1x128xi32, #tpu.memory_space<vmem>>
        %dma_start3A_175 = tpu.memref_squeeze %dma_start3A_174 : memref<1x128xi32, #tpu.memory_space<vmem>> -> memref<128xi32, #tpu.memory_space<vmem>>
        %dma_start3A_176 = tpu.memref_slice %arg2[%add3A_167] : memref<819200xi32, #tpu.memory_space<hbm>> -> memref<128xi32, #tpu.memory_space<hbm>>
        tpu.enqueue_dma source(%dma_start3A_176 : memref<128xi32, #tpu.memory_space<hbm>>) target(%dma_start3A_175 : memref<128xi32, #tpu.memory_space<vmem>>) target_semaphore(%arg7 : memref<!tpu.dma_semaphore, #tpu.memory_space<semaphore_mem>>)
      } else {
      }
      %mul3A_101 = arith.constant 128 : i32
      %mul3A_102 = arith.muli %add3A_77, %mul3A_101 : i32
      %add3A_103 = arith.addi %mul3A_2, %mul3A_102 : i32
      %dma_start3A_104 = arith.constant 0 : i32
      %dma_start3A_105 = arith.constant 0 : i32
      %dma_start3A_106 = arith.constant 0 : i32
      %dma_start3A_107 = tpu.memref_slice %arg6[%dma_start3A_104, %dma_start3A_105, %dma_start3A_106] : memref<2x128x384xf32, #tpu.memory_space<vmem>> -> memref<1x128x384xf32, #tpu.memory_space<vmem>>
      %dma_start3A_108 = tpu.memref_squeeze %dma_start3A_107 : memref<1x128x384xf32, #tpu.memory_space<vmem>> -> memref<128x384xf32, #tpu.memory_space<vmem>>
      %dma_start3A_109 = arith.constant 0 : i32
      %dma_start3A_110 = tpu.memref_slice %arg4[%add3A_103, %dma_start3A_109] : memref<819200x384xf32, #tpu.memory_space<hbm>> -> memref<128x384xf32, #tpu.memory_space<hbm>>
      %dma_start3A_111 = arith.constant 0 : i32
      %dma_start3A_112 = tpu.memref_slice %arg4[%add3A_103, %dma_start3A_111] : memref<819200x384xf32, #tpu.memory_space<hbm>> -> memref<128x384xf32, #tpu.memory_space<hbm>>
      %dma_start3A_113 = arith.constant 0 : i32
      %dma_start3A_114 = arith.constant 0 : i32
      %dma_start3A_115 = tpu.memref_slice %arg6[%dma_start3A_104, %dma_start3A_113, %dma_start3A_114] : memref<2x128x384xf32, #tpu.memory_space<vmem>> -> memref<1x128x384xf32, #tpu.memory_space<vmem>>
      %dma_start3A_116 = tpu.memref_squeeze %dma_start3A_115 : memref<1x128x384xf32, #tpu.memory_space<vmem>> -> memref<128x384xf32, #tpu.memory_space<vmem>>
      tpu.enqueue_dma source(%dma_start3A_116 : memref<128x384xf32, #tpu.memory_space<vmem>>) target(%dma_start3A_112 : memref<128x384xf32, #tpu.memory_space<hbm>>) target_semaphore(%arg10 : memref<!tpu.dma_semaphore, #tpu.memory_space<semaphore_mem>>)
      %mul3A_117 = arith.constant 2 : i32
      %mul3A_118 = arith.muli %mul3A_117, %scan3A_73 : i32
      %add3A_119 = arith.constant 1 : i32
      %add3A_120 = arith.addi %mul3A_118, %add3A_119 : i32
      %add3A_121 = arith.constant 1 : i32
      %add3A_122 = arith.addi %add3A_120, %add3A_121 : i32
      %lt3A_123 = arith.constant 200 : i32
      %lt3A_124 = arith.cmpi slt, %add3A_122, %lt3A_123 : i32
      %convert_element_type3A_125 = arith.extui %lt3A_124 : i1 to i32
      %cond3A_126 = arith.constant 0 : i32
      %cond3A_127 = arith.cmpi ne, %convert_element_type3A_125, %cond3A_126 : i32
      scf.if %cond3A_127 {
        %dma_wait3A_163 = arith.constant 0 : i32
        %dma_wait3A_164 = arith.constant 0 : i32
        %dma_wait3A_165 = tpu.memref_slice %arg5[%dma_wait3A_163, %dma_wait3A_164] : memref<2x128xi32, #tpu.memory_space<vmem>> -> memref<1x128xi32, #tpu.memory_space<vmem>>
        %dma_wait3A_166 = tpu.memref_squeeze %dma_wait3A_165 : memref<1x128xi32, #tpu.memory_space<vmem>> -> memref<128xi32, #tpu.memory_space<vmem>>
        %dma_wait3A_167 = tpu.memref_slice %arg2[%mul3A_2] : memref<819200xi32, #tpu.memory_space<hbm>> -> memref<128xi32, #tpu.memory_space<hbm>>
        %dma_wait3A_168 = arith.constant 0 : i32
        %dma_wait3A_169 = tpu.memref_slice %arg5[%dma_wait3A_163, %dma_wait3A_168] : memref<2x128xi32, #tpu.memory_space<vmem>> -> memref<1x128xi32, #tpu.memory_space<vmem>>
        %dma_wait3A_170 = tpu.memref_squeeze %dma_wait3A_169 : memref<1x128xi32, #tpu.memory_space<vmem>> -> memref<128xi32, #tpu.memory_space<vmem>>
        %dma_wait3A_171 = tpu.memref_slice %arg2[%mul3A_2] : memref<819200xi32, #tpu.memory_space<hbm>> -> memref<128xi32, #tpu.memory_space<hbm>>
        tpu.wait_dma2 semaphore(%arg7 : memref<!tpu.dma_semaphore, #tpu.memory_space<semaphore_mem>>) src(%dma_wait3A_171 : memref<128xi32, #tpu.memory_space<hbm>>) dst(%dma_wait3A_170 : memref<128xi32, #tpu.memory_space<vmem>>)
        %ge3A = arith.constant 1 : i32
        %ge3A_172 = arith.cmpi sge, %add3A_120, %ge3A : i32
        %convert_element_type3A_173 = arith.extui %ge3A_172 : i1 to i32
        %cond3A_174 = arith.constant 0 : i32
        %cond3A_175 = arith.cmpi ne, %convert_element_type3A_173, %cond3A_174 : i32
        scf.if %cond3A_175 {
          %dma_wait3A_188 = arith.constant 0 : i32
          %dma_wait3A_189 = arith.constant 0 : i32
          %dma_wait3A_190 = arith.constant 0 : i32
          %dma_wait3A_191 = tpu.memref_slice %arg6[%dma_wait3A_188, %dma_wait3A_189, %dma_wait3A_190] : memref<2x128x384xf32, #tpu.memory_space<vmem>> -> memref<1x128x384xf32, #tpu.memory_space<vmem>>
          %dma_wait3A_192 = tpu.memref_squeeze %dma_wait3A_191 : memref<1x128x384xf32, #tpu.memory_space<vmem>> -> memref<128x384xf32, #tpu.memory_space<vmem>>
          %dma_wait3A_193 = arith.constant 0 : i32
          %dma_wait3A_194 = tpu.memref_slice %arg4[%mul3A_2, %dma_wait3A_193] : memref<819200x384xf32, #tpu.memory_space<hbm>> -> memref<128x384xf32, #tpu.memory_space<hbm>>
          %dma_wait3A_195 = arith.constant 0 : i32
          %dma_wait3A_196 = tpu.memref_slice %arg4[%mul3A_2, %dma_wait3A_195] : memref<819200x384xf32, #tpu.memory_space<hbm>> -> memref<128x384xf32, #tpu.memory_space<hbm>>
          %dma_wait3A_197 = arith.constant 0 : i32
          %dma_wait3A_198 = arith.constant 0 : i32
          %dma_wait3A_199 = tpu.memref_slice %arg6[%dma_wait3A_188, %dma_wait3A_197, %dma_wait3A_198] : memref<2x128x384xf32, #tpu.memory_space<vmem>> -> memref<1x128x384xf32, #tpu.memory_space<vmem>>
          %dma_wait3A_200 = tpu.memref_squeeze %dma_wait3A_199 : memref<1x128x384xf32, #tpu.memory_space<vmem>> -> memref<128x384xf32, #tpu.memory_space<vmem>>
          tpu.wait_dma2 semaphore(%arg10 : memref<!tpu.dma_semaphore, #tpu.memory_space<semaphore_mem>>) src(%dma_wait3A_200 : memref<128x384xf32, #tpu.memory_space<vmem>>) dst(%dma_wait3A_196 : memref<128x384xf32, #tpu.memory_space<hbm>>)
        } else {
        }
        %dma_start3A_176 = arith.constant 0 : i32
        %dma_start3A_177 = arith.constant 0 : i32
        %dma_start3A_178 = arith.constant 0 : i32
        %dma_start3A_179 = arith.constant 0 : i32
        %dma_start3A_180 = tpu.memref_slice %arg6[%dma_start3A_177, %dma_start3A_178, %dma_start3A_179] : memref<2x128x384xf32, #tpu.memory_space<vmem>> -> memref<1x128x384xf32, #tpu.memory_space<vmem>>
        %dma_start3A_181 = tpu.memref_squeeze %dma_start3A_180 : memref<1x128x384xf32, #tpu.memory_space<vmem>> -> memref<128x384xf32, #tpu.memory_space<vmem>>
        %dma_start3A_182 = arith.constant 0 : i32
        %dma_start3A_183 = tpu.memref_slice %arg5[%dma_start3A_176, %dma_start3A_182] : memref<2x128xi32, #tpu.memory_space<vmem>> -> memref<1x128xi32, #tpu.memory_space<vmem>>
        %dma_start3A_184 = tpu.memref_squeeze %dma_start3A_183 : memref<1x128xi32, #tpu.memory_space<vmem>> -> memref<128xi32, #tpu.memory_space<vmem>>
        %dma_start3A_185 = arith.constant 0 : i32
        %dma_start3A_186 = arith.constant 0 : i32
        %dma_start3A_187 = tpu.memref_slice %arg3[%dma_start3A_185, %dma_start3A_186] : memref<100000x384xf32, #tpu.memory_space<hbm>> -> memref<100000x384xf32, #tpu.memory_space<hbm>>
        tpu.enqueue_indirect_dma source(%dma_start3A_187 : memref<100000x384xf32, #tpu.memory_space<hbm>>) target(%dma_start3A_181 : memref<128x384xf32, #tpu.memory_space<vmem>>) offsets(%dma_start3A_184 : memref<128xi32, #tpu.memory_space<vmem>>) semaphore(%arg8 : memref<!tpu.dma_semaphore, #tpu.memory_space<semaphore_mem>>)
      } else {
      }
      %dma_wait3A_128 = arith.constant 1 : i32
      %dma_wait3A_129 = arith.constant 1 : i32
      %dma_wait3A_130 = arith.constant 0 : i32
      %dma_wait3A_131 = arith.constant 0 : i32
      %dma_wait3A_132 = tpu.memref_slice %arg6[%dma_wait3A_129, %dma_wait3A_130, %dma_wait3A_131] : memref<2x128x384xf32, #tpu.memory_space<vmem>> -> memref<1x128x384xf32, #tpu.memory_space<vmem>>
      %dma_wait3A_133 = tpu.memref_squeeze %dma_wait3A_132 : memref<1x128x384xf32, #tpu.memory_space<vmem>> -> memref<128x384xf32, #tpu.memory_space<vmem>>
      %dma_wait3A_134 = arith.constant 0 : i32
      %dma_wait3A_135 = tpu.memref_slice %arg5[%dma_wait3A_128, %dma_wait3A_134] : memref<2x128xi32, #tpu.memory_space<vmem>> -> memref<1x128xi32, #tpu.memory_space<vmem>>
      %dma_wait3A_136 = tpu.memref_squeeze %dma_wait3A_135 : memref<1x128xi32, #tpu.memory_space<vmem>> -> memref<128xi32, #tpu.memory_space<vmem>>
      %dma_wait3A_137 = arith.constant 0 : i32
      %dma_wait3A_138 = arith.constant 0 : i32
      %dma_wait3A_139 = tpu.memref_slice %arg3[%dma_wait3A_137, %dma_wait3A_138] : memref<100000x384xf32, #tpu.memory_space<hbm>> -> memref<100000x384xf32, #tpu.memory_space<hbm>>
      tpu.wait_indirect_dma semaphore(%arg9 : memref<!tpu.dma_semaphore, #tpu.memory_space<semaphore_mem>>) src(%dma_wait3A_139 : memref<100000x384xf32, #tpu.memory_space<hbm>>) dst(%dma_wait3A_133 : memref<128x384xf32, #tpu.memory_space<vmem>>)
      %add3A_140 = arith.constant 2 : i32
      %add3A_141 = arith.addi %add3A_120, %add3A_140 : i32
      %lt3A_142 = arith.constant 200 : i32
      %lt3A_143 = arith.cmpi slt, %add3A_141, %lt3A_142 : i32
      %convert_element_type3A_144 = arith.extui %lt3A_143 : i1 to i32
      %cond3A_145 = arith.constant 0 : i32
      %cond3A_146 = arith.cmpi ne, %convert_element_type3A_144, %cond3A_145 : i32
      scf.if %cond3A_146 {
        %add3A_163 = arith.constant 2 : i32
        %add3A_164 = arith.addi %add3A_120, %add3A_163 : i32
        %mul3A_165 = arith.constant 128 : i32
        %mul3A_166 = arith.muli %add3A_164, %mul3A_165 : i32
        %add3A_167 = arith.addi %mul3A_2, %mul3A_166 : i32
        %dma_start3A_168 = arith.constant 1 : i32
        %dma_start3A_169 = arith.constant 0 : i32
        %dma_start3A_170 = tpu.memref_slice %arg5[%dma_start3A_168, %dma_start3A_169] : memref<2x128xi32, #tpu.memory_space<vmem>> -> memref<1x128xi32, #tpu.memory_space<vmem>>
        %dma_start3A_171 = tpu.memref_squeeze %dma_start3A_170 : memref<1x128xi32, #tpu.memory_space<vmem>> -> memref<128xi32, #tpu.memory_space<vmem>>
        %dma_start3A_172 = tpu.memref_slice %arg2[%add3A_167] : memref<819200xi32, #tpu.memory_space<hbm>> -> memref<128xi32, #tpu.memory_space<hbm>>
        %dma_start3A_173 = arith.constant 0 : i32
        %dma_start3A_174 = tpu.memref_slice %arg5[%dma_start3A_168, %dma_start3A_173] : memref<2x128xi32, #tpu.memory_space<vmem>> -> memref<1x128xi32, #tpu.memory_space<vmem>>
        %dma_start3A_175 = tpu.memref_squeeze %dma_start3A_174 : memref<1x128xi32, #tpu.memory_space<vmem>> -> memref<128xi32, #tpu.memory_space<vmem>>
        %dma_start3A_176 = tpu.memref_slice %arg2[%add3A_167] : memref<819200xi32, #tpu.memory_space<hbm>> -> memref<128xi32, #tpu.memory_space<hbm>>
        tpu.enqueue_dma source(%dma_start3A_176 : memref<128xi32, #tpu.memory_space<hbm>>) target(%dma_start3A_175 : memref<128xi32, #tpu.memory_space<vmem>>) target_semaphore(%arg7 : memref<!tpu.dma_semaphore, #tpu.memory_space<semaphore_mem>>)
      } else {
      }
      %mul3A_147 = arith.constant 128 : i32
      %mul3A_148 = arith.muli %add3A_120, %mul3A_147 : i32
      %add3A_149 = arith.addi %mul3A_2, %mul3A_148 : i32
      %dma_start3A_150 = arith.constant 1 : i32
      %dma_start3A_151 = arith.constant 0 : i32
      %dma_start3A_152 = arith.constant 0 : i32
      %dma_start3A_153 = tpu.memref_slice %arg6[%dma_start3A_150, %dma_start3A_151, %dma_start3A_152] : memref<2x128x384xf32, #tpu.memory_space<vmem>> -> memref<1x128x384xf32, #tpu.memory_space<vmem>>
      %dma_start3A_154 = tpu.memref_squeeze %dma_start3A_153 : memref<1x128x384xf32, #tpu.memory_space<vmem>> -> memref<128x384xf32, #tpu.memory_space<vmem>>
      %dma_start3A_155 = arith.constant 0 : i32
      %dma_start3A_156 = tpu.memref_slice %arg4[%add3A_149, %dma_start3A_155] : memref<819200x384xf32, #tpu.memory_space<hbm>> -> memref<128x384xf32, #tpu.memory_space<hbm>>
      %dma_start3A_157 = arith.constant 0 : i32
      %dma_start3A_158 = tpu.memref_slice %arg4[%add3A_149, %dma_start3A_157] : memref<819200x384xf32, #tpu.memory_space<hbm>> -> memref<128x384xf32, #tpu.memory_space<hbm>>
      %dma_start3A_159 = arith.constant 0 : i32
      %dma_start3A_160 = arith.constant 0 : i32
      %dma_start3A_161 = tpu.memref_slice %arg6[%dma_start3A_150, %dma_start3A_159, %dma_start3A_160] : memref<2x128x384xf32, #tpu.memory_space<vmem>> -> memref<1x128x384xf32, #tpu.memory_space<vmem>>
      %dma_start3A_162 = tpu.memref_squeeze %dma_start3A_161 : memref<1x128x384xf32, #tpu.memory_space<vmem>> -> memref<128x384xf32, #tpu.memory_space<vmem>>
      tpu.enqueue_dma source(%dma_start3A_162 : memref<128x384xf32, #tpu.memory_space<vmem>>) target(%dma_start3A_158 : memref<128x384xf32, #tpu.memory_space<hbm>>) target_semaphore(%arg11 : memref<!tpu.dma_semaphore, #tpu.memory_space<semaphore_mem>>)
    }
    %scan3A_46 = arith.constant 100 : i32
    %dma_wait3A_47 = arith.constant 0 : i32
    %dma_wait3A_48 = arith.constant 0 : i32
    %dma_wait3A_49 = arith.constant 0 : i32
    %dma_wait3A_50 = tpu.memref_slice %arg6[%dma_wait3A_47, %dma_wait3A_48, %dma_wait3A_49] : memref<2x128x384xf32, #tpu.memory_space<vmem>> -> memref<1x128x384xf32, #tpu.memory_space<vmem>>
    %dma_wait3A_51 = tpu.memref_squeeze %dma_wait3A_50 : memref<1x128x384xf32, #tpu.memory_space<vmem>> -> memref<128x384xf32, #tpu.memory_space<vmem>>
    %dma_wait3A_52 = arith.constant 0 : i32
    %dma_wait3A_53 = tpu.memref_slice %arg4[%mul3A_2, %dma_wait3A_52] : memref<819200x384xf32, #tpu.memory_space<hbm>> -> memref<128x384xf32, #tpu.memory_space<hbm>>
    %dma_wait3A_54 = arith.constant 0 : i32
    %dma_wait3A_55 = tpu.memref_slice %arg4[%mul3A_2, %dma_wait3A_54] : memref<819200x384xf32, #tpu.memory_space<hbm>> -> memref<128x384xf32, #tpu.memory_space<hbm>>
    %dma_wait3A_56 = arith.constant 0 : i32
    %dma_wait3A_57 = arith.constant 0 : i32
    %dma_wait3A_58 = tpu.memref_slice %arg6[%dma_wait3A_47, %dma_wait3A_56, %dma_wait3A_57] : memref<2x128x384xf32, #tpu.memory_space<vmem>> -> memref<1x128x384xf32, #tpu.memory_space<vmem>>
    %dma_wait3A_59 = tpu.memref_squeeze %dma_wait3A_58 : memref<1x128x384xf32, #tpu.memory_space<vmem>> -> memref<128x384xf32, #tpu.memory_space<vmem>>
    tpu.wait_dma2 semaphore(%arg10 : memref<!tpu.dma_semaphore, #tpu.memory_space<semaphore_mem>>) src(%dma_wait3A_59 : memref<128x384xf32, #tpu.memory_space<vmem>>) dst(%dma_wait3A_55 : memref<128x384xf32, #tpu.memory_space<hbm>>)
    %dma_wait3A_60 = arith.constant 1 : i32
    %dma_wait3A_61 = arith.constant 0 : i32
    %dma_wait3A_62 = arith.constant 0 : i32
    %dma_wait3A_63 = tpu.memref_slice %arg6[%dma_wait3A_60, %dma_wait3A_61, %dma_wait3A_62] : memref<2x128x384xf32, #tpu.memory_space<vmem>> -> memref<1x128x384xf32, #tpu.memory_space<vmem>>
    %dma_wait3A_64 = tpu.memref_squeeze %dma_wait3A_63 : memref<1x128x384xf32, #tpu.memory_space<vmem>> -> memref<128x384xf32, #tpu.memory_space<vmem>>
    %dma_wait3A_65 = arith.constant 0 : i32
    %dma_wait3A_66 = tpu.memref_slice %arg4[%mul3A_2, %dma_wait3A_65] : memref<819200x384xf32, #tpu.memory_space<hbm>> -> memref<128x384xf32, #tpu.memory_space<hbm>>
    %dma_wait3A_67 = arith.constant 0 : i32
    %dma_wait3A_68 = tpu.memref_slice %arg4[%mul3A_2, %dma_wait3A_67] : memref<819200x384xf32, #tpu.memory_space<hbm>> -> memref<128x384xf32, #tpu.memory_space<hbm>>
    %dma_wait3A_69 = arith.constant 0 : i32
    %dma_wait3A_70 = arith.constant 0 : i32
    %dma_wait3A_71 = tpu.memref_slice %arg6[%dma_wait3A_60, %dma_wait3A_69, %dma_wait3A_70] : memref<2x128x384xf32, #tpu.memory_space<vmem>> -> memref<1x128x384xf32, #tpu.memory_space<vmem>>
    %dma_wait3A_72 = tpu.memref_squeeze %dma_wait3A_71 : memref<1x128x384xf32, #tpu.memory_space<vmem>> -> memref<128x384xf32, #tpu.memory_space<vmem>>
    tpu.wait_dma2 semaphore(%arg11 : memref<!tpu.dma_semaphore, #tpu.memory_space<semaphore_mem>>) src(%dma_wait3A_72 : memref<128x384xf32, #tpu.memory_space<vmem>>) dst(%dma_wait3A_68 : memref<128x384xf32, #tpu.memory_space<hbm>>)
    return
  }
}

</mosaic_0001>

<sc_bundles>
// kernel: kernel.3.cloned.1.call-start
scs
__scs_entry_jumppad:
0x0: {  	(pc) =	sbr.rel $0x88, $3  }
0x1: {  	(tag) =	ssettag $0x0;
	lr =	simm.s32 $0x1  }
0x2: {  	[smem:$0x3F9F] =	sst lr;
	_ =	strace $0xD0000000  }
0x3: {  	_ = 	snop  }
0x4: {  	_ = 	snop  }
0x5: {  	_ = 	snop  }
0x6: {  	_ = 	snop  }
0x7: {  	_ = 	snop  }
__scs_overlays_trampoline_lowered:
0x8: {  	[smem:$0x3FAE] =	sst s0  }
0x9: {  	[smem:$0x3FAF] =	sst s1  }
0xa: {  	[smem:$0x3FB0] =	sst s2  }
0xb: {  	[smem:$0x3FB1] =	sst s3  }
0xc: {  	[smem:$0x3FB2] =	sst s4  }
0xd: {  	[smem:$0x3FB3] =	sst s5  }
0xe: {  	[smem:$0x3FB4] =	sst s6  }
0xf: {  	[smem:$0x3FB5] =	sst s7  }
0x10: {  	[smem:$0x3FB6] =	sst s8  }
0x11: {  	[smem:$0x3FB7] =	sst s9;
	s0 =	simm.s32 @!p0 $0x0  }
0x12: {  	s1 =	sld [smem:$0x3F9D];
	s0 =	simm.s32 @p0 $0x1  }
0x13: {  	[smem:$0x3FB8] =	sst s0;
	s0 =	simm.s32 @!p1 $0x0  }
0x14: {  	s2 =	sld [smem:$0x3F9C];
	s0 =	simm.s32 @p1 $0x1  }
0x15: {  	[smem:$0x3FB9] =	sst s0;
	s0 =	simm.s32 @!p2 $0x0  }
0x16: {  	s3 =	sld [smem:$0x3FDB];
	s0 =	simm.s32 @p2 $0x1  }
0x17: {  	s4 =	simm.s32 $0x1BF5;
	[smem:$0x3FBB] =	sst s0  }
0x18: {  	s0 =	sld [smem:$0x3F9E];
	_ =	swait.ge [sflag:s4], $0x0  }
0x19: {  	s7 =	sld [smem:$0x3F9F]  }
0x1a: {  	s8 =	sadd.s32 $0xFFFFE003, lr  }
0x1b: {  	s9 =	sadd.s32 $0xFFFFFEF7, lr;
	s5 =	simm.s32 $0xFFFFFFFF;
	p2 =	slt.u32 s8, $0xFFFFF086  }
0x1c: {  	p1 =	slt.u32 s9, $0xF7A;
	s5 =	simm.s32 @!p2 $0x0  }
0x1d: {  	s5 =	simm.s32 @p1 $0x1;
	p0 =	seq.s32 s7, s2  }
0x1e: {  	s7 =	smul.u32 @!p0 $0xF7A, s2;
	p2 =	seq.s32 @!p0 s5, $0x0  }
0x1f: {  	s9 =	smul.u32 $0xF7A, s1;
	s8 =	simm.s32 @!p0 $0x1BF5;
	p2 =	por !p2, p0  }
0x20: {  	[sflag:s8] =	ssyncset.s32 @!p0 $0xFFFFF086;
	s6 =	sadd.s32 @!p0 s3, s7;
	s7 =	simm.s32 @!p0 $0x108  }
0x21: {  	s3 =	sadd.s32 s3, s9;
	s6 =	sadd.s32 @!p0 $0x88, s6;
	s7 =	simm.s32 @p2 $0x1082  }
0x22: {  	[simem:s7], [sflag:s8] =	dma.local @!p0 [hbm:s6], $0xF7A  }
0x23: {  	s9 =	sor.u32 $0xD0000000, s2;
	s6 =	simm.s32 $0x108;
	_ =	swait.ge @!p0 [sflag:s8], $0x0  }
0x24: {  	s3 =	sadd.s32 $0x88, s3;
	s6 =	simm.s32 @!p1 $0x1082;
	[sflag:s4] =	ssyncset.s32 $0xFFFFF086  }
0x25: {  	[simem:s6], [sflag:s4] =	dma.local [hbm:s3], $0xF7A  }
0x26: {  	[smem:$0x3F9F] =	sst s1;
	(tag) =	ssettag s2;
	_ =	strace s9  }
0x27: {  	s1 =	sld [smem:$0x3FAF]  }
0x28: {  	s2 =	sld [smem:$0x3FB0]  }
0x29: {  	s4 =	sld [smem:$0x3FB2]  }
0x2a: {  	p0 =	seq.s32 s5, $0x0;
	s5 =	sld [smem:$0x3FB3]  }
0x2b: {  	s6 =	sld [smem:$0x3FB4]  }
0x2c: {  	s7 =	sld [smem:$0x3FB5]  }
0x2d: {  	s3 =	simm.s32 $0x108;
	s8 =	sld [smem:$0x3FB6]  }
0x2e: {  	s3 =	simm.s32 @!p0 $0x1082;
	s9 =	sld [smem:$0x3FB7]  }
0x2f: {  	lr =	sadd.s32 s0, s3;
	s0 =	sld [smem:$0x3FAE]  }
0x30: {  	s3 =	sld [smem:$0x3FB1]  }
0x31: {  	[smem:$0x3FBA] =	sst s10  }
0x32: {  	s10 =	sld [smem:$0x3FB8];
	_ =	sdelay $0x3  }
0x33: {  	p0 =	seq.s32 s10, $0x1;
	s10 =	sld [smem:$0x3FBA];
	_ =	sdelay $0x3  }
0x34: {  	[smem:$0x3FBA] =	sst s10  }
0x35: {  	s10 =	sld [smem:$0x3FB9];
	_ =	sdelay $0x3  }
0x36: {  	p1 =	seq.s32 s10, $0x1;
	s10 =	sld [smem:$0x3FBA];
	_ =	sdelay $0x3  }
0x37: {  	[smem:$0x3FBA] =	sst s10  }
0x38: {  	s10 =	sld [smem:$0x3FBB]  }
0x39: {  	_ = 	snop;
	(pc) =	sbr.ind lr, $3  }
0x3a: {  	_ = 	snop  }
0x3b: {  	_ = 	snop  }
0x3c: {  	p2 =	seq.s32 s10, $0x1;
	s10 =	sld [smem:$0x3FBA]  }
0x3d: {  	_ =	shalt  }
0x3e: {  	_ =	shalt  }
0x3f: {  	_ =	shalt  }
0x40: {  	_ =	shalt  }
0x41: {  	_ =	shalt  }
0x42: {  	_ =	shalt  }
0x43: {  	_ =	shalt  }
0x44: {  	_ =	shalt  }
0x45: {  	_ =	shalt  }
0x46: {  	_ =	shalt  }
0x47: {  	_ =	shalt  }
0x48: {  	_ =	shalt  }
0x49: {  	_ =	shalt  }
0x4a: {  	_ =	shalt  }
0x4b: {  	_ =	shalt  }
0x4c: {  	_ =	shalt  }
0x4d: {  	_ =	shalt  }
0x4e: {  	_ =	shalt  }
0x4f: {  	_ =	shalt  }
0x50: {  	_ =	shalt  }
0x51: {  	_ =	shalt  }
0x52: {  	_ =	shalt  }
0x53: {  	_ =	shalt  }
0x54: {  	_ =	shalt  }
0x55: {  	_ =	shalt  }
0x56: {  	_ =	shalt  }
0x57: {  	_ =	shalt  }
0x58: {  	_ =	shalt  }
0x59: {  	_ =	shalt  }
0x5a: {  	_ =	shalt  }
0x5b: {  	_ =	shalt  }
0x5c: {  	_ =	shalt  }
0x5d: {  	_ =	shalt  }
0x5e: {  	_ =	shalt  }
0x5f: {  	_ =	shalt  }
0x60: {  	_ =	shalt  }
0x61: {  	_ =	shalt  }
0x62: {  	_ =	shalt  }
0x63: {  	_ =	shalt  }
0x64: {  	_ =	shalt  }
0x65: {  	_ =	shalt  }
0x66: {  	_ =	shalt  }
0x67: {  	_ =	shalt  }
0x68: {  	_ =	shalt  }
0x69: {  	_ =	shalt  }
0x6a: {  	_ =	shalt  }
0x6b: {  	_ =	shalt  }
0x6c: {  	_ =	shalt  }
0x6d: {  	_ =	shalt  }
0x6e: {  	_ =	shalt  }
0x6f: {  	_ =	shalt  }
0x70: {  	_ =	shalt  }
0x71: {  	_ =	shalt  }
0x72: {  	_ =	shalt  }
0x73: {  	_ =	shalt  }
0x74: {  	_ =	shalt  }
0x75: {  	_ =	shalt  }
0x76: {  	_ =	shalt  }
0x77: {  	_ =	shalt  }
0x78: {  	_ =	shalt  }
0x79: {  	_ =	shalt  }
0x7a: {  	_ =	shalt  }
0x7b: {  	_ =	shalt  }
0x7c: {  	_ =	shalt  }
0x7d: {  	_ =	shalt  }
0x7e: {  	_ =	shalt  }
0x7f: {  	_ =	shalt  }
0x80: {  	_ =	shalt  }
0x81: {  	_ =	shalt  }
0x82: {  	_ =	shalt  }
0x83: {  	_ =	shalt  }
0x84: {  	_ =	shalt  }
0x85: {  	_ =	shalt  }
0x86: {  	_ =	shalt  }
0x87: {  	_ =	shalt  }
.Lfunc_end0:
.L_simem_size_0:
called_computation.1_lowered:
.L_overlay_start_0:
0x88: {  	s2 =	sld [smem:$0x3FD9]  }
0x89: {  	s3 =	sld [smem:$0x3FFE];
	_ =	sdelay $0x1  }
0x8a: {  	s1 =	srdreg.scid  }
0x8b: {  	s0 =	sand.u32 $0x1, s1  }
0x8c: {  	s16 =	sshll.u32 s0, $0xA;
	s2 =	sadd.s32 s3, s2  }
0x8d: {  	s2 =	sadd.s32 s2, s16  }
0x8e: {  	[smem:$0x3FC6] =	sst s2  }
0x8f: {  	_ = 	snop  }
0x90: {  	(tm) =	ssettm $0x1  }
0x91: {  	s17 =	sld [smem:$0x3FFB];
	_ =	sdelay $0x3  }
0x92: {  	_ =	strace s17  }
0x93: {  	s2 =	sld [smem:$0x3FFC];
	_ =	sdelay $0x3  }
0x94: {  	_ =	strace s2  }
0x95: {  	s2 =	sld [smem:$0x3FFD];
	_ =	sdelay $0x3  }
0x96: {  	_ =	strace s2  }
0x97: {  	_ =	strace $0x8FFFFFFF  }
0x98: {  	s18 =	sld [smem:$0x3FDB];
	_ =	sdelay $0x1  }
0x99: {  	s19 =	simm.s32 $_scs_section_size  }
0x9a: {  	s4 =	simm.s32 $_size__tile_overlayer_lowered;
	s5 =	simm.s32 $_tile_overlayer_lowered  }
0x9b: {  	s22 =	simm.s32 $0x1BFF;
	s21 =	sshll.u32 s5, $0x1;
	s2 =	sadd.s32 s19, s18  }
0x9c: {  	s6 =	simm.s32 $0x0;
	s20 =	sshll.u32 s4, $0x1;
	s4 =	sadd.s32 s21, s2  }
0x9d: {  	[timem:s6], [sflag:s22] =	dma.local [hbm:s4], s20  }
0x9e: {  	_ =	swait.ge [sflag:s22], s20  }
0x9f: {  	s3 =	ssub.s32 $0x0, s20;
	[sflag:s22] =	ssyncset.done $0x0  }
0xa0: {  	[sflag:s22] =	ssyncadd.s32 s3;
	_ =	sdelay $0x1  }
0xa1: {  	s23 =	simm.s32 $0x1B8B  }
0xa2: {  	_ =	swait.ge [sflag:s23], $0x1  }
0xa3: {  	[sflag:s23] =	ssyncset.done $0x0  }
0xa4: {  	s25 =	simm.s32 $0x1B8E;
	s24 =	sld [smem:$0x3FFE];
	[sflag:s23] =	ssyncadd.s32 $0xFFFFFFFF  }
0xa5: {  	s26 =	simm.s32 $execute0_lowered;
	[smem:$0x3FD2] =	sst s25  }
0xa6: {  	s4 =	sshll.u32 s26, $0x1;
	_ =	strace $0x80000046;
	[dreg:$0x1] =	wrdreg $0xFFFFFFFF  }
0xa7: {  	s28 =	simm.s32 $_size_execute0_lowered;
	s2 =	sadd.s32 s2, s4;
	[dreg:$0x0] =	wrdreg $0x0  }
0xa8: {  	s4 =	sshll.u32 s28, $0x1;
	[dreg:$0x2] =	wrdreg s2  }
0xa9: {  	[dreg:$0x3] =	wrdreg s4  }
0xaa: {  	[dreg:$0x4] =	wrdreg $0xC0  }
0xab: {  	_ =	task [dreg:s6], $0x5FFFF  }
0xac: {  	[dreg:$0x1] =	wrdreg $0xFFFFFFFF  }
0xad: {  	[dreg:$0x0] =	wrdreg $0x60  }
0xae: {  	[dreg:$0x2] =	wrdreg s24  }
0xaf: {  	[dreg:$0x3] =	wrdreg $0x9  }
0xb0: {  	_ =	task.clear_ibuf [dreg:s6], $0x4FFFF;
	_ =	strace $0x90000046  }
0xb1: {  	s29 =	simm.s32 $0x9;
	_ =	strace $0x80000048  }
0xb2: {  	_ =	swait.ge [sflag:s29], $0x1  }
0xb3: {  	[sflag:s29] =	ssyncadd.s32 $0xFFFFFFFF  }
0xb4: {  	_ =	strace $0x90000048  }
0xb5: {  	_ =	sfence  }
0xb6: {  	s30 =	sld [smem:$0x0];
	_ =	sdelay $0x2  }
0xb7: {  	s31 =	sshll.u32 s1, $0xD;
	s1 =	sshrl.u32 s1, $0x2  }
0xb8: {  	s3 =	sand.u32 $0x4000, s31;
	s1 =	sadd.s32 s1, s30  }
0xb9: {  	s0 =	sor.u32 s3, s0;
	s1 =	sshll.u32 s1, $0x11  }
0xba: {  	s0 =	sor.u32 s1, s0  }
0xbb: {  	s0 =	sadd.s32 $0x8F2B, s0  }
0xbc: {  	[sflag:s0] =	ssyncadd.remote.s32 $0x1  }
0xbd: {  	_ =	sfence.sel $0xFFFF  }
0xbe: {  	[dreg:$0x0] =	wrdreg $0xFFFFFFFF;
	(pc) =	sbr.abs _section_cstart, $3  }
0xbf: {  	[dreg:$0x1] =	wrdreg $0xFFFFFFFF  }
0xc0: {  	_ =	task.clear_ibuf [dreg:s6], $0x2FFFF;
	_ =	strace $0x9FFFFFFF  }
0xc1: {  	(tm) =	ssettm $0x7FFFFFFF  }
tec
execute0_lowered:
.L_overlay_start_1:
0x0: {  	(tag) =	ssettag $0x1  }
0x1: {  	s0 =	srdreg.scid  }
0x2: {  	s5 =	stileid.u32;
	s1 =	rddreg [dreg:$0x0]  }
0x3: {  	s2 =	simm.s32 $0x0;
	s13 =	simm.s32 $0x1;
	s14 =	simm.s32 $0x100  }
0x4: {  	s16 =	simm.s32 $0x11D00;
	s17 =	simm.s32 $0x12100;
	s18 =	simm.s32 $0x12900  }
0x5: {  	s12 =	simm.s32 $0x15100;
	s28 =	simm.s32 $0x16500;
	s29 =	simm.s32 $0x16900  }
0x6: {  	s30 =	simm.s32 $0x17100;
	s31 =	simm.s32 $0x17500;
	s11 =	simm.s32 $0x0  }
0x7: {  	s0 =	sand.u32 $0x1, s0;
	s3 =	sshll.u32 s5, $0x1;
	[smem:$0x7FF] =	sst s2  }
0x8: {  	s6 =	sadd.s32 $0x800, s1;
	s5 =	smul.u32 $0xC800, s5;
	s8 =	sadd.s32 $0x4AD600, s1  }
0x9: {  	s3 =	sor.u32 s0, s3;
	s7 =	ssub.s32 $0x2, s0;
	s0 =	smul.u32 $0x6400, s0  }
0xa: {  	_ =	strace $0x80000047;
	s4 =	smul.u32 $0x6400, s3;
	s9 =	sshrl.u32 s7, $0x1  }
0xb: {  	s3 =	sadd.s32 $0x19800, s1;
	s7 =	ssub.s32 s7, s9;
	s0 =	sadd.s32 s0, s5  }
0xc: {  	s5 =	sadd.s32 $0x19900, s1;
	s4 =	sshrl.u32 s4, $0x3;
	s20 =	sor.u32 $0x80, s0  }
0xd: {  	s22 =	smax.u32 s7, $0x1;
	s23 =	sor.u32 $0x180, s0;
	s24 =	sor.u32 $0x100, s0  }
0xe: {  	s0 =	sshrl.u32 s0, $0x3;
	s19 =	smul.u32 $0x180, s4;
	s4 =	sadd.s32 s6, s4  }
0xf: {  	s1 =	sshrl.u32 s20, $0x3;
	[dreg:$0x5] =	wrdreg s22;
	s7 =	sshrl.u32 s24, $0x3  }
0x10: {  	s0 =	smul.u32 $0x180, s0;
	s24 =	simm.s32 $0xC100;
	s20 =	simm.s32 $0x13500  }
0x11: {  	s22 =	simm.s32 $0x14100;
	[dreg:$0x2] =	wrdreg s4;
	s4 =	sadd.s32 $0x10, s4  }
0x12: {  	s1 =	smul.u32 $0x180, s1;
	s26 =	sadd.s32 s7, s6;
	[dreg:$0x3] =	wrdreg s4  }
0x13: {  	s7 =	simm.s32 $0x14D00;
	s21 =	sadd.s32 s8, s19;
	[dreg:$0x7] =	wrdreg s26  }
0x14: {  	s0 =	sadd.s32 s0, s8;
	s19 =	simm.s32 $0x12D00;
	s26 =	simm.s32 $0x15D00  }
.Ltmp0:
0x15: {  	s4 =	sadd.s32 $0x129000, s21;
	s9 =	sadd.s32 s1, s8;
	(pc) =	sbr.rel .LBB2_1-.Ltmp0, $4  }
0x16: {  	[dreg:$0x8] =	wrdreg s0;
	s21 =	simm.s32 $0x13900;
	s1 =	simm.s32 $0x17D00  }
0x17: {  	v2 =	vlaneseq.u32;
	s0 =	simm.s32 $0x2;
	[dreg:$0x4] =	wrdreg s4;
	s4 =	sshrl.u32 s23, $0x3  }
0x18: {  	vm0 =	vmmov $0xffff;
	vm1 =	vmmov $0xff;
	v1 =	vshrl.u32 v2, $0x3;
	s8 =	simm.s32 $0x4;
	s23 =	simm.s32 $0x14500;
	s25 =	sadd.s32 s4, s6  }
0x19: {  	v0 =	vand.u32 $0x7, v2;
	v2 =	vor.u32 $0x8, v2;
	v1 =	vmul.u32 $0x8, v1;
	s6 =	simm.s32 $0x3;
	[dreg:$0x6] =	wrdreg s25;
	s25 =	simm.s32 $0x15900  }
.LBB2_6:
0x1a: {  	_ =	swait.ge [sflag:s8], $0xC000  }
0x1b: {  	[sflag:s8] =	ssyncset.done $0x0  }
0x1c: {  	s10 =	simm.s32 $0x5;
	[sflag:s8] =	ssyncadd.s32 $0xFFFF4000  }
0x1d: {  	_ =	swait.ge [sflag:s10], $0xC000  }
0x1e: {  	s11 =	rddreg [dreg:$0x9]  }
0x1f: {  	s4 =	rddreg [dreg:$0x5];
	s11 =	sadd.s32 $0x1, s11  }
0x20: {  	p0 =	sne.s32 s11, s4  }
.Ltmp1:
0x21: {  	_ = 	snop;
	(pc) =	sbr.rel @!p0 .LBB2_7-.Ltmp1, $3  }
0x22: {  	_ =	sdelay $0x1  }
0x23: {  	[sflag:s10] =	ssyncset.done $0x0  }
0x24: {  	[sflag:s10] =	ssyncadd.s32 $0xFFFF4000  }
.LBB2_1:
0x25: {  	[dreg:$0x9] =	wrdreg s11  }
0x26: {  	s4 =	rddreg [dreg:$0x2]  }
0x27: {  	[tilespmem:s2], [sflag:$0x1] =	stream.linear.gather [hbm4b:s4+s2], $0x80, $0x38;
	[tilespmem:$0x18100] =	vst v63  }
0x28: {  	_ =	swait.ge [sflag:s13], $0x80  }
0x29: {  	[sflag:s13] =	ssyncset.done $0x0  }
0x2a: {  	[sflag:s13] =	ssyncadd.s32 $0xFFFFFF80  }
0x2b: {  	v3 =	vld [tilespmem:$0x0];
	_ =	sdelay $0x4  }
0x2c: {  	v4 =	vshrl.u32 v3, $0x3  }
0x2d: {  	v4 =	vmul.u32 $0x18, v4  }
0x2e: {  	v3 =	vand.u32 $0x7, v3  }
0x2f: {  	v3 =	vor.u32 v3, v4  }
0x30: {  	v4 =	vperm.xlane v3, v0;
	_ =	sdelay $0x1  }
0x31: {  	v4 =	vadd.s32 v1, v4;
	_ =	sdelay $0x1  }
0x32: {  	v3 =	vperm.xlane v3, v2;
	_ =	sdelay $0x1  }
0x33: {  	v3 =	vadd.s32 v1, v3  }
0x34: {  	[tilespmem:s14], [sflag:$0x2] =	stream.indirect_vreg.gather [hbm4b:s3+s2], $0x80, v4, vm0, $0xb8;
	[tilespmem:$0x18100] =	vst v63  }
0x35: {  	s11 =	simm.s32 $0x900  }
0x36: {  	[tilespmem:s11], [sflag:$0x2] =	stream.indirect_vreg.gather [hbm4b:s5+s2], $0x80, v4, vm1, $0xb8;
	[tilespmem:$0x18100] =	vst v63  }
0x37: {  	s15 =	simm.s32 $0xD00  }
0x38: {  	[tilespmem:s15], [sflag:$0x2] =	stream.indirect_vreg.gather [hbm4b:s3+s2], $0x80, v3, vm0, $0xb8;
	[tilespmem:$0x18100] =	vst v63  }
0x39: {  	s10 =	simm.s32 $0x1500  }
0x3a: {  	[tilespmem:s10], [sflag:$0x2] =	stream.indirect_vreg.gather [hbm4b:s5+s2], $0x80, v3, vm1, $0xb8;
	[tilespmem:$0x18100] =	vst v63  }
0x3b: {  	v3 =	vld [tilespmem:$0x10];
	_ =	sdelay $0x4  }
0x3c: {  	v57 =	vshrl.u32 v3, $0x3  }
0x3d: {  	v4 =	vmul.u32 $0x18, v57  }
0x3e: {  	v3 =	vand.u32 $0x7, v3  }
0x3f: {  	v3 =	vor.u32 v3, v4  }
0x40: {  	v4 =	vperm.xlane v3, v0;
	_ =	sdelay $0x1  }
0x41: {  	v4 =	vadd.s32 v1, v4;
	_ =	sdelay $0x1  }
0x42: {  	v3 =	vperm.xlane v3, v2;
	_ =	sdelay $0x1  }
0x43: {  	s11 =	simm.s32 $0x1900;
	v3 =	vadd.s32 v1, v3  }
0x44: {  	[tilespmem:s11], [sflag:$0x2] =	stream.indirect_vreg.gather [hbm4b:s3+s2], $0x80, v4, vm0, $0xb8;
	[tilespmem:$0x18100] =	vst v63  }
0x45: {  	s15 =	simm.s32 $0x2100  }
0x46: {  	[tilespmem:s15], [sflag:$0x2] =	stream.indirect_vreg.gather [hbm4b:s5+s2], $0x80, v4, vm1, $0xb8;
	[tilespmem:$0x18100] =	vst v63  }
0x47: {  	s10 =	simm.s32 $0x2500  }
0x48: {  	[tilespmem:s10], [sflag:$0x2] =	stream.indirect_vreg.gather [hbm4b:s3+s2], $0x80, v3, vm0, $0xb8;
	[tilespmem:$0x18100] =	vst v63  }
0x49: {  	s11 =	simm.s32 $0x2D00  }
0x4a: {  	[tilespmem:s11], [sflag:$0x2] =	stream.indirect_vreg.gather [hbm4b:s5+s2], $0x80, v3, vm1, $0xb8;
	[tilespmem:$0x18100] =	vst v63  }
0x4b: {  	v3 =	vld [tilespmem:$0x20];
	_ =	sdelay $0x4  }
0x4c: {  	v58 =	vshrl.u32 v3, $0x3  }
0x4d: {  	v4 =	vmul.u32 $0x18, v58  }
0x4e: {  	v3 =	vand.u32 $0x7, v3  }
0x4f: {  	v3 =	vor.u32 v3, v4  }
0x50: {  	v4 =	vperm.xlane v3, v0;
	_ =	sdelay $0x1  }
0x51: {  	v4 =	vadd.s32 v1, v4;
	_ =	sdelay $0x1  }
0x52: {  	v3 =	vperm.xlane v3, v2;
	_ =	sdelay $0x1  }
0x53: {  	s15 =	simm.s32 $0x3100;
	v3 =	vadd.s32 v1, v3  }
0x54: {  	[tilespmem:s15], [sflag:$0x2] =	stream.indirect_vreg.gather [hbm4b:s3+s2], $0x80, v4, vm0, $0xb8;
	[tilespmem:$0x18100] =	vst v63  }
0x55: {  	s10 =	simm.s32 $0x3900  }
0x56: {  	[tilespmem:s10], [sflag:$0x2] =	stream.indirect_vreg.gather [hbm4b:s5+s2], $0x80, v4, vm1, $0xb8;
	[tilespmem:$0x18100] =	vst v63  }
0x57: {  	s11 =	simm.s32 $0x3D00  }
0x58: {  	[tilespmem:s11], [sflag:$0x2] =	stream.indirect_vreg.gather [hbm4b:s3+s2], $0x80, v3, vm0, $0xb8;
	[tilespmem:$0x18100] =	vst v63  }
0x59: {  	s15 =	simm.s32 $0x4500  }
0x5a: {  	[tilespmem:s15], [sflag:$0x2] =	stream.indirect_vreg.gather [hbm4b:s5+s2], $0x80, v3, vm1, $0xb8;
	[tilespmem:$0x18100] =	vst v63  }
0x5b: {  	v3 =	vld [tilespmem:$0x30];
	_ =	sdelay $0x4  }
0x5c: {  	v59 =	vshrl.u32 v3, $0x3  }
0x5d: {  	v4 =	vmul.u32 $0x18, v59  }
0x5e: {  	v3 =	vand.u32 $0x7, v3  }
0x5f: {  	v3 =	vor.u32 v3, v4  }
0x60: {  	v4 =	vperm.xlane v3, v0;
	_ =	sdelay $0x1  }
0x61: {  	v4 =	vadd.s32 v1, v4;
	_ =	sdelay $0x1  }
0x62: {  	v3 =	vperm.xlane v3, v2;
	_ =	sdelay $0x1  }
0x63: {  	s10 =	simm.s32 $0x4900;
	v3 =	vadd.s32 v1, v3  }
0x64: {  	[tilespmem:s10], [sflag:$0x2] =	stream.indirect_vreg.gather [hbm4b:s3+s2], $0x80, v4, vm0, $0xb8;
	[tilespmem:$0x18100] =	vst v63  }
0x65: {  	s11 =	simm.s32 $0x5100  }
0x66: {  	[tilespmem:s11], [sflag:$0x2] =	stream.indirect_vreg.gather [hbm4b:s5+s2], $0x80, v4, vm1, $0xb8;
	[tilespmem:$0x18100] =	vst v63  }
0x67: {  	s15 =	simm.s32 $0x5500  }
0x68: {  	[tilespmem:s15], [sflag:$0x2] =	stream.indirect_vreg.gather [hbm4b:s3+s2], $0x80, v3, vm0, $0xb8;
	[tilespmem:$0x18100] =	vst v63  }
0x69: {  	s10 =	simm.s32 $0x5D00  }
0x6a: {  	[tilespmem:s10], [sflag:$0x2] =	stream.indirect_vreg.gather [hbm4b:s5+s2], $0x80, v3, vm1, $0xb8;
	[tilespmem:$0x18100] =	vst v63  }
0x6b: {  	v3 =	vld [tilespmem:$0x40];
	_ =	sdelay $0x4  }
0x6c: {  	v60 =	vshrl.u32 v3, $0x3  }
0x6d: {  	v4 =	vmul.u32 $0x18, v60  }
0x6e: {  	v3 =	vand.u32 $0x7, v3  }
0x6f: {  	v3 =	vor.u32 v3, v4  }
0x70: {  	v4 =	vperm.xlane v3, v0;
	_ =	sdelay $0x1  }
0x71: {  	v4 =	vadd.s32 v1, v4;
	_ =	sdelay $0x1  }
0x72: {  	v3 =	vperm.xlane v3, v2;
	_ =	sdelay $0x1  }
0x73: {  	s11 =	simm.s32 $0x6100;
	v3 =	vadd.s32 v1, v3  }
0x74: {  	[tilespmem:s11], [sflag:$0x2] =	stream.indirect_vreg.gather [hbm4b:s3+s2], $0x80, v4, vm0, $0xb8;
	[tilespmem:$0x18100] =	vst v63  }
0x75: {  	s15 =	simm.s32 $0x6900  }
0x76: {  	[tilespmem:s15], [sflag:$0x2] =	stream.indirect_vreg.gather [hbm4b:s5+s2], $0x80, v4, vm1, $0xb8;
	[tilespmem:$0x18100] =	vst v63  }
0x77: {  	s10 =	simm.s32 $0x6D00  }
0x78: {  	[tilespmem:s10], [sflag:$0x2] =	stream.indirect_vreg.gather [hbm4b:s3+s2], $0x80, v3, vm0, $0xb8;
	[tilespmem:$0x18100] =	vst v63  }
0x79: {  	s11 =	simm.s32 $0x7500  }
0x7a: {  	[tilespmem:s11], [sflag:$0x2] =	stream.indirect_vreg.gather [hbm4b:s5+s2], $0x80, v3, vm1, $0xb8;
	[tilespmem:$0x18100] =	vst v63  }
0x7b: {  	v3 =	vld [tilespmem:$0x50];
	_ =	sdelay $0x4  }
0x7c: {  	v61 =	vshrl.u32 v3, $0x3  }
0x7d: {  	v4 =	vmul.u32 $0x18, v61  }
0x7e: {  	v3 =	vand.u32 $0x7, v3  }
0x7f: {  	v3 =	vor.u32 v3, v4  }
0x80: {  	v4 =	vperm.xlane v3, v0;
	_ =	sdelay $0x1  }
0x81: {  	v4 =	vadd.s32 v1, v4;
	_ =	sdelay $0x1  }
0x82: {  	v3 =	vperm.xlane v3, v2;
	_ =	sdelay $0x1  }
0x83: {  	s15 =	simm.s32 $0x7900;
	v3 =	vadd.s32 v1, v3  }
0x84: {  	[tilespmem:s15], [sflag:$0x2] =	stream.indirect_vreg.gather [hbm4b:s3+s2], $0x80, v4, vm0, $0xb8;
	[tilespmem:$0x18100] =	vst v63  }
0x85: {  	s10 =	simm.s32 $0x8100  }
0x86: {  	[tilespmem:s10], [sflag:$0x2] =	stream.indirect_vreg.gather [hbm4b:s5+s2], $0x80, v4, vm1, $0xb8;
	[tilespmem:$0x18100] =	vst v63  }
0x87: {  	s11 =	simm.s32 $0x8500  }
0x88: {  	[tilespmem:s11], [sflag:$0x2] =	stream.indirect_vreg.gather [hbm4b:s3+s2], $0x80, v3, vm0, $0xb8;
	[tilespmem:$0x18100] =	vst v63  }
0x89: {  	s15 =	simm.s32 $0x8D00  }
0x8a: {  	[tilespmem:s15], [sflag:$0x2] =	stream.indirect_vreg.gather [hbm4b:s5+s2], $0x80, v3, vm1, $0xb8;
	[tilespmem:$0x18100] =	vst v63  }
0x8b: {  	v3 =	vld [tilespmem:$0x60];
	_ =	sdelay $0x4  }
0x8c: {  	v62 =	vshrl.u32 v3, $0x3  }
0x8d: {  	v4 =	vmul.u32 $0x18, v62  }
0x8e: {  	v3 =	vand.u32 $0x7, v3  }
0x8f: {  	v3 =	vor.u32 v3, v4  }
0x90: {  	v4 =	vperm.xlane v3, v0;
	_ =	sdelay $0x1  }
0x91: {  	v4 =	vadd.s32 v1, v4;
	_ =	sdelay $0x1  }
0x92: {  	v3 =	vperm.xlane v3, v2;
	_ =	sdelay $0x1  }
0x93: {  	s10 =	simm.s32 $0x9100;
	v3 =	vadd.s32 v1, v3  }
0x94: {  	[tilespmem:s10], [sflag:$0x2] =	stream.indirect_vreg.gather [hbm4b:s3+s2], $0x80, v4, vm0, $0xb8;
	[tilespmem:$0x18100] =	vst v63  }
0x95: {  	s11 =	simm.s32 $0x9900  }
0x96: {  	[tilespmem:s11], [sflag:$0x2] =	stream.indirect_vreg.gather [hbm4b:s5+s2], $0x80, v4, vm1, $0xb8;
	[tilespmem:$0x18100] =	vst v63  }
0x97: {  	s15 =	simm.s32 $0x9D00  }
0x98: {  	[tilespmem:s15], [sflag:$0x2] =	stream.indirect_vreg.gather [hbm4b:s3+s2], $0x80, v3, vm0, $0xb8;
	[tilespmem:$0x18100] =	vst v63  }
0x99: {  	s10 =	simm.s32 $0xA500  }
0x9a: {  	[tilespmem:s10], [sflag:$0x2] =	stream.indirect_vreg.gather [hbm4b:s5+s2], $0x80, v3, vm1, $0xb8;
	[tilespmem:$0x18100] =	vst v63  }
0x9b: {  	v3 =	vld [tilespmem:$0x70];
	_ =	sdelay $0x4  }
0x9c: {  	v63 =	vshrl.u32 v3, $0x3  }
0x9d: {  	v4 =	vmul.u32 $0x18, v63  }
0x9e: {  	v3 =	vand.u32 $0x7, v3  }
0x9f: {  	v3 =	vor.u32 v3, v4  }
0xa0: {  	v4 =	vperm.xlane v3, v0;
	_ =	sdelay $0x1  }
0xa1: {  	v4 =	vadd.s32 v1, v4;
	_ =	sdelay $0x1  }
0xa2: {  	v3 =	vperm.xlane v3, v2;
	_ =	sdelay $0x1  }
0xa3: {  	s11 =	simm.s32 $0xA900;
	v3 =	vadd.s32 v1, v3  }
0xa4: {  	[tilespmem:s11], [sflag:$0x2] =	stream.indirect_vreg.gather [hbm4b:s3+s2], $0x80, v4, vm0, $0xb8;
	[tilespmem:$0x18100] =	vst v63  }
0xa5: {  	s15 =	simm.s32 $0xB100  }
0xa6: {  	[tilespmem:s15], [sflag:$0x2] =	stream.indirect_vreg.gather [hbm4b:s5+s2], $0x80, v4, vm1, $0xb8;
	[tilespmem:$0x18100] =	vst v63  }
0xa7: {  	s10 =	simm.s32 $0xB500  }
0xa8: {  	[tilespmem:s10], [sflag:$0x2] =	stream.indirect_vreg.gather [hbm4b:s3+s2], $0x80, v3, vm0, $0xb8;
	[tilespmem:$0x18100] =	vst v63  }
.Ltmp2:
0xa9: {  	s4 =	rddreg [dreg:$0x7];
	s11 =	simm.s32 $0xBD00;
	(pc) =	sbr.rel .LBB2_2-.Ltmp2, $4  }
0xaa: {  	[tilespmem:s11], [sflag:$0x2] =	stream.indirect_vreg.gather [hbm4b:s5+s2], $0x80, v3, vm1, $0xb8;
	[tilespmem:$0x18100] =	vst v63  }
0xab: {  	s15 =	rddreg [dreg:$0x3];
	s10 =	simm.s32 $0x80  }
0xac: {  	[tilespmem:s10], [sflag:$0x1] =	stream.linear.gather [hbm4b:s15+s2], $0x80, $0x38;
	[tilespmem:$0x18100] =	vst v63  }
0xad: {  	s11 =	simm.s32 $0x0;
	s10 =	rddreg [dreg:$0x6]  }
.LBB2_4:
0xae: {  	s15 =	rddreg [dreg:$0x4]  }
0xaf: {  	[hbm4b:s15+s2] =	stream.linear.scatter [tilespmem:s14], [sflag:$0x4], $0xC000, $0x38;
	[tilespmem:$0x18100] =	vst v63  }
0xb0: {  	_ =	swait.ge [sflag:s6], $0xC000  }
0xb1: {  	[sflag:s6] =	ssyncset.done $0x0  }
0xb2: {  	[sflag:s6] =	ssyncadd.s32 $0xFFFF4000  }
.LBB2_5:
0xb3: {  	s15 =	sadd.s32 s11, s9;
	s11 =	sadd.s32 $0x3000, s11  }
0xb4: {  	p0 =	sne.s32 s11, $0x12C000  }
.Ltmp3:
0xb5: {  	_ = 	snop;
	(pc) =	sbr.rel @!p0 .LBB2_6-.Ltmp3, $3  }
0xb6: {  	_ =	sdelay $0x1  }
0xb7: {  	s10 =	sadd.s32 $0x20, s10;
	s4 =	sadd.s32 $0x20, s4  }
0xb8: {  	[hbm4b:s15+s2] =	stream.linear.scatter [tilespmem:s24], [sflag:$0x5], $0xC000, $0x38;
	[tilespmem:$0x18100] =	vst v63  }
.LBB2_2:
0xb9: {  	_ =	swait.ge [sflag:s13], $0x80  }
0xba: {  	p0 =	seq.s32 s11, $0x0;
	[sflag:s13] =	ssyncset.done $0x0  }
0xbb: {  	s15 =	simm.s32 @!p0 $0x5;
	[sflag:s13] =	ssyncadd.s32 $0xFFFFFF80  }
0xbc: {  	_ =	swait.ge @!p0 [sflag:s15], $0xC000  }
0xbd: {  	[sflag:s15] =	ssyncset.done @!p0 $0x0  }
0xbe: {  	[sflag:s15] =	ssyncadd.s32 @!p0 $0xFFFF4000  }
0xbf: {  	v3 =	vld [tilespmem:$0x80];
	_ =	sdelay $0x4  }
0xc0: {  	v4 =	vshrl.u32 v3, $0x3  }
0xc1: {  	v4 =	vmul.u32 $0x18, v4  }
0xc2: {  	v3 =	vand.u32 $0x7, v3  }
0xc3: {  	v3 =	vor.u32 v3, v4  }
0xc4: {  	v4 =	vperm.xlane v3, v0;
	_ =	sdelay $0x1  }
0xc5: {  	v4 =	vadd.s32 v1, v4;
	_ =	sdelay $0x1  }
0xc6: {  	v3 =	vperm.xlane v3, v2;
	_ =	sdelay $0x1  }
0xc7: {  	v3 =	vadd.s32 v1, v3  }
0xc8: {  	[tilespmem:s24], [sflag:$0x3] =	stream.indirect_vreg.gather [hbm4b:s3+s2], $0x80, v4, vm0, $0xb8;
	[tilespmem:$0x18100] =	vst v63  }
0xc9: {  	s15 =	simm.s32 $0xC900  }
0xca: {  	[tilespmem:s15], [sflag:$0x3] =	stream.indirect_vreg.gather [hbm4b:s5+s2], $0x80, v4, vm1, $0xb8;
	[tilespmem:$0x18100] =	vst v63  }
0xcb: {  	s15 =	simm.s32 $0xCD00  }
0xcc: {  	[tilespmem:s15], [sflag:$0x3] =	stream.indirect_vreg.gather [hbm4b:s3+s2], $0x80, v3, vm0, $0xb8;
	[tilespmem:$0x18100] =	vst v63  }
0xcd: {  	s15 =	simm.s32 $0xD500  }
0xce: {  	[tilespmem:s15], [sflag:$0x3] =	stream.indirect_vreg.gather [hbm4b:s5+s2], $0x80, v3, vm1, $0xb8;
	[tilespmem:$0x18100] =	vst v63  }
0xcf: {  	v3 =	vld [tilespmem:$0x90];
	_ =	sdelay $0x4  }
0xd0: {  	v57 =	vshrl.u32 v3, $0x3  }
0xd1: {  	v4 =	vmul.u32 $0x18, v57  }
0xd2: {  	v3 =	vand.u32 $0x7, v3  }
0xd3: {  	v3 =	vor.u32 v3, v4  }
0xd4: {  	v4 =	vperm.xlane v3, v0;
	_ =	sdelay $0x1  }
0xd5: {  	v4 =	vadd.s32 v1, v4;
	_ =	sdelay $0x1  }
0xd6: {  	v3 =	vperm.xlane v3, v2;
	_ =	sdelay $0x1  }
0xd7: {  	s15 =	simm.s32 $0xD900;
	v3 =	vadd.s32 v1, v3  }
0xd8: {  	[tilespmem:s15], [sflag:$0x3] =	stream.indirect_vreg.gather [hbm4b:s3+s2], $0x80, v4, vm0, $0xb8;
	[tilespmem:$0x18100] =	vst v63  }
0xd9: {  	s15 =	simm.s32 $0xE100  }
0xda: {  	[tilespmem:s15], [sflag:$0x3] =	stream.indirect_vreg.gather [hbm4b:s5+s2], $0x80, v4, vm1, $0xb8;
	[tilespmem:$0x18100] =	vst v63  }
0xdb: {  	s15 =	simm.s32 $0xE500  }
0xdc: {  	[tilespmem:s15], [sflag:$0x3] =	stream.indirect_vreg.gather [hbm4b:s3+s2], $0x80, v3, vm0, $0xb8;
	[tilespmem:$0x18100] =	vst v63  }
0xdd: {  	s15 =	simm.s32 $0xED00  }
0xde: {  	[tilespmem:s15], [sflag:$0x3] =	stream.indirect_vreg.gather [hbm4b:s5+s2], $0x80, v3, vm1, $0xb8;
	[tilespmem:$0x18100] =	vst v63  }
0xdf: {  	v3 =	vld [tilespmem:$0xA0];
	_ =	sdelay $0x4  }
0xe0: {  	v58 =	vshrl.u32 v3, $0x3  }
0xe1: {  	v4 =	vmul.u32 $0x18, v58  }
0xe2: {  	v3 =	vand.u32 $0x7, v3  }
0xe3: {  	v3 =	vor.u32 v3, v4  }
0xe4: {  	v4 =	vperm.xlane v3, v0;
	_ =	sdelay $0x1  }
0xe5: {  	v4 =	vadd.s32 v1, v4;
	_ =	sdelay $0x1  }
0xe6: {  	v3 =	vperm.xlane v3, v2;
	_ =	sdelay $0x1  }
0xe7: {  	s15 =	simm.s32 $0xF100;
	v3 =	vadd.s32 v1, v3  }
0xe8: {  	[tilespmem:s15], [sflag:$0x3] =	stream.indirect_vreg.gather [hbm4b:s3+s2], $0x80, v4, vm0, $0xb8;
	[tilespmem:$0x18100] =	vst v63  }
0xe9: {  	s15 =	simm.s32 $0xF900  }
0xea: {  	[tilespmem:s15], [sflag:$0x3] =	stream.indirect_vreg.gather [hbm4b:s5+s2], $0x80, v4, vm1, $0xb8;
	[tilespmem:$0x18100] =	vst v63  }
0xeb: {  	s15 =	simm.s32 $0xFD00  }
0xec: {  	[tilespmem:s15], [sflag:$0x3] =	stream.indirect_vreg.gather [hbm4b:s3+s2], $0x80, v3, vm0, $0xb8;
	[tilespmem:$0x18100] =	vst v63  }
0xed: {  	s15 =	simm.s32 $0x10500  }
0xee: {  	[tilespmem:s15], [sflag:$0x3] =	stream.indirect_vreg.gather [hbm4b:s5+s2], $0x80, v3, vm1, $0xb8;
	[tilespmem:$0x18100] =	vst v63  }
0xef: {  	v3 =	vld [tilespmem:$0xB0];
	_ =	sdelay $0x4  }
0xf0: {  	v59 =	vshrl.u32 v3, $0x3  }
0xf1: {  	v4 =	vmul.u32 $0x18, v59  }
0xf2: {  	v3 =	vand.u32 $0x7, v3  }
0xf3: {  	v3 =	vor.u32 v3, v4  }
0xf4: {  	v4 =	vperm.xlane v3, v0;
	_ =	sdelay $0x1  }
0xf5: {  	v4 =	vadd.s32 v1, v4;
	_ =	sdelay $0x1  }
0xf6: {  	v3 =	vperm.xlane v3, v2;
	_ =	sdelay $0x1  }
0xf7: {  	s15 =	simm.s32 $0x10900;
	v3 =	vadd.s32 v1, v3  }
0xf8: {  	[tilespmem:s15], [sflag:$0x3] =	stream.indirect_vreg.gather [hbm4b:s3+s2], $0x80, v4, vm0, $0xb8;
	[tilespmem:$0x18100] =	vst v63  }
0xf9: {  	s15 =	simm.s32 $0x11100  }
0xfa: {  	[tilespmem:s15], [sflag:$0x3] =	stream.indirect_vreg.gather [hbm4b:s5+s2], $0x80, v4, vm1, $0xb8;
	[tilespmem:$0x18100] =	vst v63  }
0xfb: {  	s15 =	simm.s32 $0x11500  }
0xfc: {  	[tilespmem:s15], [sflag:$0x3] =	stream.indirect_vreg.gather [hbm4b:s3+s2], $0x80, v3, vm0, $0xb8;
	[tilespmem:$0x18100] =	vst v63  }
0xfd: {  	_ = 	snop  }
0xfe: {  	[tilespmem:s16], [sflag:$0x3] =	stream.indirect_vreg.gather [hbm4b:s5+s2], $0x80, v3, vm1, $0xb8;
	[tilespmem:$0x18100] =	vst v63  }
0xff: {  	v3 =	vld [tilespmem:$0xC0];
	_ =	sdelay $0x4  }
0x100: {  	v60 =	vshrl.u32 v3, $0x3  }
0x101: {  	v4 =	vmul.u32 $0x18, v60  }
0x102: {  	v3 =	vand.u32 $0x7, v3  }
0x103: {  	v3 =	vor.u32 v3, v4  }
0x104: {  	v4 =	vperm.xlane v3, v0;
	_ =	sdelay $0x1  }
0x105: {  	v4 =	vadd.s32 v1, v4;
	_ =	sdelay $0x1  }
0x106: {  	v3 =	vperm.xlane v3, v2;
	_ =	sdelay $0x1  }
0x107: {  	v3 =	vadd.s32 v1, v3  }
0x108: {  	[tilespmem:s17], [sflag:$0x3] =	stream.indirect_vreg.gather [hbm4b:s3+s2], $0x80, v4, vm0, $0xb8;
	[tilespmem:$0x18100] =	vst v63  }
0x109: {  	_ = 	snop  }
0x10a: {  	[tilespmem:s18], [sflag:$0x3] =	stream.indirect_vreg.gather [hbm4b:s5+s2], $0x80, v4, vm1, $0xb8;
	[tilespmem:$0x18100] =	vst v63  }
0x10b: {  	_ = 	snop  }
0x10c: {  	[tilespmem:s19], [sflag:$0x3] =	stream.indirect_vreg.gather [hbm4b:s3+s2], $0x80, v3, vm0, $0xb8;
	[tilespmem:$0x18100] =	vst v63  }
0x10d: {  	_ = 	snop  }
0x10e: {  	[tilespmem:s20], [sflag:$0x3] =	stream.indirect_vreg.gather [hbm4b:s5+s2], $0x80, v3, vm1, $0xb8;
	[tilespmem:$0x18100] =	vst v63  }
0x10f: {  	v3 =	vld [tilespmem:$0xD0];
	_ =	sdelay $0x4  }
0x110: {  	v61 =	vshrl.u32 v3, $0x3  }
0x111: {  	v4 =	vmul.u32 $0x18, v61  }
0x112: {  	v3 =	vand.u32 $0x7, v3  }
0x113: {  	v3 =	vor.u32 v3, v4  }
0x114: {  	v4 =	vperm.xlane v3, v0;
	_ =	sdelay $0x1  }
0x115: {  	v4 =	vadd.s32 v1, v4;
	_ =	sdelay $0x1  }
0x116: {  	v3 =	vperm.xlane v3, v2;
	_ =	sdelay $0x1  }
0x117: {  	v3 =	vadd.s32 v1, v3  }
0x118: {  	[tilespmem:s21], [sflag:$0x3] =	stream.indirect_vreg.gather [hbm4b:s3+s2], $0x80, v4, vm0, $0xb8;
	[tilespmem:$0x18100] =	vst v63  }
0x119: {  	_ = 	snop  }
0x11a: {  	[tilespmem:s22], [sflag:$0x3] =	stream.indirect_vreg.gather [hbm4b:s5+s2], $0x80, v4, vm1, $0xb8;
	[tilespmem:$0x18100] =	vst v63  }
0x11b: {  	_ = 	snop  }
0x11c: {  	[tilespmem:s23], [sflag:$0x3] =	stream.indirect_vreg.gather [hbm4b:s3+s2], $0x80, v3, vm0, $0xb8;
	[tilespmem:$0x18100] =	vst v63  }
0x11d: {  	_ = 	snop  }
0x11e: {  	[tilespmem:s7], [sflag:$0x3] =	stream.indirect_vreg.gather [hbm4b:s5+s2], $0x80, v3, vm1, $0xb8;
	[tilespmem:$0x18100] =	vst v63  }
0x11f: {  	v3 =	vld [tilespmem:$0xE0];
	_ =	sdelay $0x4  }
0x120: {  	v62 =	vshrl.u32 v3, $0x3  }
0x121: {  	v4 =	vmul.u32 $0x18, v62  }
0x122: {  	v3 =	vand.u32 $0x7, v3  }
0x123: {  	v3 =	vor.u32 v3, v4  }
0x124: {  	v4 =	vperm.xlane v3, v0;
	_ =	sdelay $0x1  }
0x125: {  	v4 =	vadd.s32 v1, v4;
	_ =	sdelay $0x1  }
0x126: {  	v3 =	vperm.xlane v3, v2;
	_ =	sdelay $0x1  }
0x127: {  	v3 =	vadd.s32 v1, v3  }
0x128: {  	[tilespmem:s12], [sflag:$0x3] =	stream.indirect_vreg.gather [hbm4b:s3+s2], $0x80, v4, vm0, $0xb8;
	[tilespmem:$0x18100] =	vst v63  }
0x129: {  	_ = 	snop  }
0x12a: {  	[tilespmem:s25], [sflag:$0x3] =	stream.indirect_vreg.gather [hbm4b:s5+s2], $0x80, v4, vm1, $0xb8;
	[tilespmem:$0x18100] =	vst v63  }
0x12b: {  	_ = 	snop  }
0x12c: {  	[tilespmem:s26], [sflag:$0x3] =	stream.indirect_vreg.gather [hbm4b:s3+s2], $0x80, v3, vm0, $0xb8;
	[tilespmem:$0x18100] =	vst v63  }
0x12d: {  	_ = 	snop  }
0x12e: {  	[tilespmem:s28], [sflag:$0x3] =	stream.indirect_vreg.gather [hbm4b:s5+s2], $0x80, v3, vm1, $0xb8;
	[tilespmem:$0x18100] =	vst v63  }
0x12f: {  	v3 =	vld [tilespmem:$0xF0];
	_ =	sdelay $0x4  }
0x130: {  	v63 =	vshrl.u32 v3, $0x3  }
0x131: {  	v4 =	vmul.u32 $0x18, v63  }
0x132: {  	v3 =	vand.u32 $0x7, v3  }
0x133: {  	v3 =	vor.u32 v3, v4  }
0x134: {  	v4 =	vperm.xlane v3, v0;
	_ =	sdelay $0x1  }
0x135: {  	v4 =	vadd.s32 v1, v4;
	_ =	sdelay $0x1  }
0x136: {  	v3 =	vperm.xlane v3, v2;
	_ =	sdelay $0x1  }
0x137: {  	v3 =	vadd.s32 v1, v3  }
0x138: {  	[tilespmem:s29], [sflag:$0x3] =	stream.indirect_vreg.gather [hbm4b:s3+s2], $0x80, v4, vm0, $0xb8;
	[tilespmem:$0x18100] =	vst v63  }
0x139: {  	_ = 	snop  }
0x13a: {  	[tilespmem:s30], [sflag:$0x3] =	stream.indirect_vreg.gather [hbm4b:s5+s2], $0x80, v4, vm1, $0xb8;
	[tilespmem:$0x18100] =	vst v63  }
0x13b: {  	p0 =	seq.s32 s11, $0x129000  }
0x13c: {  	[tilespmem:s31], [sflag:$0x3] =	stream.indirect_vreg.gather [hbm4b:s3+s2], $0x80, v3, vm0, $0xb8;
	[tilespmem:$0x18100] =	vst v63  }
.Ltmp4:
0x13d: {  	_ = 	snop;
	(pc) =	sbr.rel @p0 .LBB2_4-.Ltmp4, $4  }
0x13e: {  	[tilespmem:s1], [sflag:$0x3] =	stream.indirect_vreg.gather [hbm4b:s5+s2], $0x80, v3, vm1, $0xb8;
	[tilespmem:$0x18100] =	vst v63  }
0x13f: {  	_ =	swait.ge [sflag:s0], $0xC000  }
0x140: {  	[sflag:s0] =	ssyncset.done $0x0  }
0x141: {  	[sflag:s0] =	ssyncadd.s32 $0xFFFF4000  }
0x142: {  	[tilespmem:s2], [sflag:$0x1] =	stream.linear.gather [hbm4b:s4+s2], $0x80, $0x38;
	[tilespmem:$0x18100] =	vst v63  }
0x143: {  	s15 =	rddreg [dreg:$0x8]  }
0x144: {  	s15 =	sadd.s32 s11, s15  }
0x145: {  	[hbm4b:s15+s2] =	stream.linear.scatter [tilespmem:s14], [sflag:$0x4], $0xC000, $0x38;
	[tilespmem:$0x18100] =	vst v63  }
0x146: {  	_ =	swait.ge [sflag:s13], $0x80  }
0x147: {  	[sflag:s13] =	ssyncset.done $0x0  }
0x148: {  	[sflag:s13] =	ssyncadd.s32 $0xFFFFFF80  }
0x149: {  	_ =	swait.ge [sflag:s8], $0xC000  }
0x14a: {  	[sflag:s8] =	ssyncset.done $0x0  }
0x14b: {  	[sflag:s8] =	ssyncadd.s32 $0xFFFF4000  }
0x14c: {  	v3 =	vld [tilespmem:$0x0];
	_ =	sdelay $0x4  }
0x14d: {  	v4 =	vshrl.u32 v3, $0x3  }
0x14e: {  	v4 =	vmul.u32 $0x18, v4  }
0x14f: {  	v3 =	vand.u32 $0x7, v3  }
0x150: {  	v3 =	vor.u32 v3, v4  }
0x151: {  	v4 =	vperm.xlane v3, v0;
	_ =	sdelay $0x1  }
0x152: {  	v4 =	vadd.s32 v1, v4;
	_ =	sdelay $0x1  }
0x153: {  	v3 =	vperm.xlane v3, v2;
	_ =	sdelay $0x1  }
0x154: {  	v3 =	vadd.s32 v1, v3  }
0x155: {  	[tilespmem:s14], [sflag:$0x2] =	stream.indirect_vreg.gather [hbm4b:s3+s2], $0x80, v4, vm0, $0xb8;
	[tilespmem:$0x18100] =	vst v63  }
0x156: {  	s15 =	simm.s32 $0x900  }
0x157: {  	[tilespmem:s15], [sflag:$0x2] =	stream.indirect_vreg.gather [hbm4b:s5+s2], $0x80, v4, vm1, $0xb8;
	[tilespmem:$0x18100] =	vst v63  }
0x158: {  	s15 =	simm.s32 $0xD00  }
0x159: {  	[tilespmem:s15], [sflag:$0x2] =	stream.indirect_vreg.gather [hbm4b:s3+s2], $0x80, v3, vm0, $0xb8;
	[tilespmem:$0x18100] =	vst v63  }
0x15a: {  	s15 =	simm.s32 $0x1500  }
0x15b: {  	[tilespmem:s15], [sflag:$0x2] =	stream.indirect_vreg.gather [hbm4b:s5+s2], $0x80, v3, vm1, $0xb8;
	[tilespmem:$0x18100] =	vst v63  }
0x15c: {  	v3 =	vld [tilespmem:$0x10];
	_ =	sdelay $0x4  }
0x15d: {  	v57 =	vshrl.u32 v3, $0x3  }
0x15e: {  	v4 =	vmul.u32 $0x18, v57  }
0x15f: {  	v3 =	vand.u32 $0x7, v3  }
0x160: {  	v3 =	vor.u32 v3, v4  }
0x161: {  	v4 =	vperm.xlane v3, v0;
	_ =	sdelay $0x1  }
0x162: {  	v4 =	vadd.s32 v1, v4;
	_ =	sdelay $0x1  }
0x163: {  	v3 =	vperm.xlane v3, v2;
	_ =	sdelay $0x1  }
0x164: {  	s15 =	simm.s32 $0x1900;
	v3 =	vadd.s32 v1, v3  }
0x165: {  	[tilespmem:s15], [sflag:$0x2] =	stream.indirect_vreg.gather [hbm4b:s3+s2], $0x80, v4, vm0, $0xb8;
	[tilespmem:$0x18100] =	vst v63  }
0x166: {  	s15 =	simm.s32 $0x2100  }
0x167: {  	[tilespmem:s15], [sflag:$0x2] =	stream.indirect_vreg.gather [hbm4b:s5+s2], $0x80, v4, vm1, $0xb8;
	[tilespmem:$0x18100] =	vst v63  }
0x168: {  	s15 =	simm.s32 $0x2500  }
0x169: {  	[tilespmem:s15], [sflag:$0x2] =	stream.indirect_vreg.gather [hbm4b:s3+s2], $0x80, v3, vm0, $0xb8;
	[tilespmem:$0x18100] =	vst v63  }
0x16a: {  	s15 =	simm.s32 $0x2D00  }
0x16b: {  	[tilespmem:s15], [sflag:$0x2] =	stream.indirect_vreg.gather [hbm4b:s5+s2], $0x80, v3, vm1, $0xb8;
	[tilespmem:$0x18100] =	vst v63  }
0x16c: {  	v3 =	vld [tilespmem:$0x20];
	_ =	sdelay $0x4  }
0x16d: {  	v58 =	vshrl.u32 v3, $0x3  }
0x16e: {  	v4 =	vmul.u32 $0x18, v58  }
0x16f: {  	v3 =	vand.u32 $0x7, v3  }
0x170: {  	v3 =	vor.u32 v3, v4  }
0x171: {  	v4 =	vperm.xlane v3, v0;
	_ =	sdelay $0x1  }
0x172: {  	v4 =	vadd.s32 v1, v4;
	_ =	sdelay $0x1  }
0x173: {  	v3 =	vperm.xlane v3, v2;
	_ =	sdelay $0x1  }
0x174: {  	s15 =	simm.s32 $0x3100;
	v3 =	vadd.s32 v1, v3  }
0x175: {  	[tilespmem:s15], [sflag:$0x2] =	stream.indirect_vreg.gather [hbm4b:s3+s2], $0x80, v4, vm0, $0xb8;
	[tilespmem:$0x18100] =	vst v63  }
0x176: {  	s15 =	simm.s32 $0x3900  }
0x177: {  	[tilespmem:s15], [sflag:$0x2] =	stream.indirect_vreg.gather [hbm4b:s5+s2], $0x80, v4, vm1, $0xb8;
	[tilespmem:$0x18100] =	vst v63  }
0x178: {  	s15 =	simm.s32 $0x3D00  }
0x179: {  	[tilespmem:s15], [sflag:$0x2] =	stream.indirect_vreg.gather [hbm4b:s3+s2], $0x80, v3, vm0, $0xb8;
	[tilespmem:$0x18100] =	vst v63  }
0x17a: {  	s15 =	simm.s32 $0x4500  }
0x17b: {  	[tilespmem:s15], [sflag:$0x2] =	stream.indirect_vreg.gather [hbm4b:s5+s2], $0x80, v3, vm1, $0xb8;
	[tilespmem:$0x18100] =	vst v63  }
0x17c: {  	v3 =	vld [tilespmem:$0x30];
	_ =	sdelay $0x4  }
0x17d: {  	v59 =	vshrl.u32 v3, $0x3  }
0x17e: {  	v4 =	vmul.u32 $0x18, v59  }
0x17f: {  	v3 =	vand.u32 $0x7, v3  }
0x180: {  	v3 =	vor.u32 v3, v4  }
0x181: {  	v4 =	vperm.xlane v3, v0;
	_ =	sdelay $0x1  }
0x182: {  	v4 =	vadd.s32 v1, v4;
	_ =	sdelay $0x1  }
0x183: {  	v3 =	vperm.xlane v3, v2;
	_ =	sdelay $0x1  }
0x184: {  	s15 =	simm.s32 $0x4900;
	v3 =	vadd.s32 v1, v3  }
0x185: {  	[tilespmem:s15], [sflag:$0x2] =	stream.indirect_vreg.gather [hbm4b:s3+s2], $0x80, v4, vm0, $0xb8;
	[tilespmem:$0x18100] =	vst v63  }
0x186: {  	s15 =	simm.s32 $0x5100  }
0x187: {  	[tilespmem:s15], [sflag:$0x2] =	stream.indirect_vreg.gather [hbm4b:s5+s2], $0x80, v4, vm1, $0xb8;
	[tilespmem:$0x18100] =	vst v63  }
0x188: {  	s15 =	simm.s32 $0x5500  }
0x189: {  	[tilespmem:s15], [sflag:$0x2] =	stream.indirect_vreg.gather [hbm4b:s3+s2], $0x80, v3, vm0, $0xb8;
	[tilespmem:$0x18100] =	vst v63  }
0x18a: {  	s15 =	simm.s32 $0x5D00  }
0x18b: {  	[tilespmem:s15], [sflag:$0x2] =	stream.indirect_vreg.gather [hbm4b:s5+s2], $0x80, v3, vm1, $0xb8;
	[tilespmem:$0x18100] =	vst v63  }
0x18c: {  	v3 =	vld [tilespmem:$0x40];
	_ =	sdelay $0x4  }
0x18d: {  	v60 =	vshrl.u32 v3, $0x3  }
0x18e: {  	v4 =	vmul.u32 $0x18, v60  }
0x18f: {  	v3 =	vand.u32 $0x7, v3  }
0x190: {  	v3 =	vor.u32 v3, v4  }
0x191: {  	v4 =	vperm.xlane v3, v0;
	_ =	sdelay $0x1  }
0x192: {  	v4 =	vadd.s32 v1, v4;
	_ =	sdelay $0x1  }
0x193: {  	v3 =	vperm.xlane v3, v2;
	_ =	sdelay $0x1  }
0x194: {  	s15 =	simm.s32 $0x6100;
	v3 =	vadd.s32 v1, v3  }
0x195: {  	[tilespmem:s15], [sflag:$0x2] =	stream.indirect_vreg.gather [hbm4b:s3+s2], $0x80, v4, vm0, $0xb8;
	[tilespmem:$0x18100] =	vst v63  }
0x196: {  	s15 =	simm.s32 $0x6900  }
0x197: {  	[tilespmem:s15], [sflag:$0x2] =	stream.indirect_vreg.gather [hbm4b:s5+s2], $0x80, v4, vm1, $0xb8;
	[tilespmem:$0x18100] =	vst v63  }
0x198: {  	s15 =	simm.s32 $0x6D00  }
0x199: {  	[tilespmem:s15], [sflag:$0x2] =	stream.indirect_vreg.gather [hbm4b:s3+s2], $0x80, v3, vm0, $0xb8;
	[tilespmem:$0x18100] =	vst v63  }
0x19a: {  	s15 =	simm.s32 $0x7500  }
0x19b: {  	[tilespmem:s15], [sflag:$0x2] =	stream.indirect_vreg.gather [hbm4b:s5+s2], $0x80, v3, vm1, $0xb8;
	[tilespmem:$0x18100] =	vst v63  }
0x19c: {  	v3 =	vld [tilespmem:$0x50];
	_ =	sdelay $0x4  }
0x19d: {  	v61 =	vshrl.u32 v3, $0x3  }
0x19e: {  	v4 =	vmul.u32 $0x18, v61  }
0x19f: {  	v3 =	vand.u32 $0x7, v3  }
0x1a0: {  	v3 =	vor.u32 v3, v4  }
0x1a1: {  	v4 =	vperm.xlane v3, v0;
	_ =	sdelay $0x1  }
0x1a2: {  	v4 =	vadd.s32 v1, v4;
	_ =	sdelay $0x1  }
0x1a3: {  	v3 =	vperm.xlane v3, v2;
	_ =	sdelay $0x1  }
0x1a4: {  	s15 =	simm.s32 $0x7900;
	v3 =	vadd.s32 v1, v3  }
0x1a5: {  	[tilespmem:s15], [sflag:$0x2] =	stream.indirect_vreg.gather [hbm4b:s3+s2], $0x80, v4, vm0, $0xb8;
	[tilespmem:$0x18100] =	vst v63  }
0x1a6: {  	s15 =	simm.s32 $0x8100  }
0x1a7: {  	[tilespmem:s15], [sflag:$0x2] =	stream.indirect_vreg.gather [hbm4b:s5+s2], $0x80, v4, vm1, $0xb8;
	[tilespmem:$0x18100] =	vst v63  }
0x1a8: {  	s15 =	simm.s32 $0x8500  }
0x1a9: {  	[tilespmem:s15], [sflag:$0x2] =	stream.indirect_vreg.gather [hbm4b:s3+s2], $0x80, v3, vm0, $0xb8;
	[tilespmem:$0x18100] =	vst v63  }
0x1aa: {  	s15 =	simm.s32 $0x8D00  }
0x1ab: {  	[tilespmem:s15], [sflag:$0x2] =	stream.indirect_vreg.gather [hbm4b:s5+s2], $0x80, v3, vm1, $0xb8;
	[tilespmem:$0x18100] =	vst v63  }
0x1ac: {  	v3 =	vld [tilespmem:$0x60];
	_ =	sdelay $0x4  }
0x1ad: {  	v62 =	vshrl.u32 v3, $0x3  }
0x1ae: {  	v4 =	vmul.u32 $0x18, v62  }
0x1af: {  	v3 =	vand.u32 $0x7, v3  }
0x1b0: {  	v3 =	vor.u32 v3, v4  }
0x1b1: {  	v4 =	vperm.xlane v3, v0;
	_ =	sdelay $0x1  }
0x1b2: {  	v4 =	vadd.s32 v1, v4;
	_ =	sdelay $0x1  }
0x1b3: {  	v3 =	vperm.xlane v3, v2;
	_ =	sdelay $0x1  }
0x1b4: {  	s15 =	simm.s32 $0x9100;
	v3 =	vadd.s32 v1, v3  }
0x1b5: {  	[tilespmem:s15], [sflag:$0x2] =	stream.indirect_vreg.gather [hbm4b:s3+s2], $0x80, v4, vm0, $0xb8;
	[tilespmem:$0x18100] =	vst v63  }
0x1b6: {  	s15 =	simm.s32 $0x9900  }
0x1b7: {  	[tilespmem:s15], [sflag:$0x2] =	stream.indirect_vreg.gather [hbm4b:s5+s2], $0x80, v4, vm1, $0xb8;
	[tilespmem:$0x18100] =	vst v63  }
0x1b8: {  	s15 =	simm.s32 $0x9D00  }
0x1b9: {  	[tilespmem:s15], [sflag:$0x2] =	stream.indirect_vreg.gather [hbm4b:s3+s2], $0x80, v3, vm0, $0xb8;
	[tilespmem:$0x18100] =	vst v63  }
0x1ba: {  	s15 =	simm.s32 $0xA500  }
0x1bb: {  	[tilespmem:s15], [sflag:$0x2] =	stream.indirect_vreg.gather [hbm4b:s5+s2], $0x80, v3, vm1, $0xb8;
	[tilespmem:$0x18100] =	vst v63  }
0x1bc: {  	v3 =	vld [tilespmem:$0x70];
	_ =	sdelay $0x4  }
0x1bd: {  	v63 =	vshrl.u32 v3, $0x3  }
0x1be: {  	v4 =	vmul.u32 $0x18, v63  }
0x1bf: {  	v3 =	vand.u32 $0x7, v3  }
0x1c0: {  	v3 =	vor.u32 v3, v4  }
0x1c1: {  	v4 =	vperm.xlane v3, v0;
	_ =	sdelay $0x1  }
0x1c2: {  	v4 =	vadd.s32 v1, v4;
	_ =	sdelay $0x1  }
0x1c3: {  	v3 =	vperm.xlane v3, v2;
	_ =	sdelay $0x1  }
0x1c4: {  	s15 =	simm.s32 $0xA900;
	v3 =	vadd.s32 v1, v3  }
0x1c5: {  	[tilespmem:s15], [sflag:$0x2] =	stream.indirect_vreg.gather [hbm4b:s3+s2], $0x80, v4, vm0, $0xb8;
	[tilespmem:$0x18100] =	vst v63  }
0x1c6: {  	s15 =	simm.s32 $0xB100  }
0x1c7: {  	[tilespmem:s15], [sflag:$0x2] =	stream.indirect_vreg.gather [hbm4b:s5+s2], $0x80, v4, vm1, $0xb8;
	[tilespmem:$0x18100] =	vst v63  }
0x1c8: {  	s15 =	simm.s32 $0xB500  }
0x1c9: {  	[tilespmem:s15], [sflag:$0x2] =	stream.indirect_vreg.gather [hbm4b:s3+s2], $0x80, v3, vm0, $0xb8;
	[tilespmem:$0x18100] =	vst v63  }
0x1ca: {  	s15 =	simm.s32 $0xBD00  }
0x1cb: {  	[tilespmem:s15], [sflag:$0x2] =	stream.indirect_vreg.gather [hbm4b:s5+s2], $0x80, v3, vm1, $0xb8;
	[tilespmem:$0x18100] =	vst v63  }
.Ltmp5:
0x1cc: {  	_ = 	snop;
	(pc) =	sbr.rel .LBB2_5-.Ltmp5, $4  }
0x1cd: {  	_ =	swait.ge [sflag:s6], $0xC000  }
0x1ce: {  	[sflag:s6] =	ssyncset.done $0x0  }
0x1cf: {  	s15 =	simm.s32 $0x80;
	[sflag:s6] =	ssyncadd.s32 $0xFFFF4000  }
0x1d0: {  	[tilespmem:s15], [sflag:$0x1] =	stream.linear.gather [hbm4b:s10+s2], $0x80, $0x38;
	[tilespmem:$0x18100] =	vst v63  }
.LBB2_7:
0x1d1: {  	_ =	sfence.sel $0x180000  }
0x1d2: {  	[bflag:$0x0] =	sbarrier.arrive $0xFFFF  }
0x1d3: {  	_ =	strace $0x90000047  }
0x1d4: {  	s0 =	stileid.u32;
	[bflag:$0x2] =	sbarrier.arrive $0xFFFF  }
0x1d5: {  	p0 =	sne.s32 s0, $0x0;
	s0 =	rddreg [dreg:$0x1]  }
0x1d6: {  	s0 =	sadd.s32 @!p0 $0x100000, s0  }
0x1d7: {  	[sflag:s0] =	ssyncadd.tile.s32 @!p0 $0x1;
	_ =	shalt  }
.Lfunc_end2:
_tile_overlayer_lowered:
.L_overlay_start_2:
0x1d8: {  	(tag) =	ssettag $0x2  }
0x1d9: {  	s0 =	rddreg [dreg:$0x0];
	s2 =	stileid.u32  }
0x1da: {  	s1 =	rddreg [dreg:$0x1];
	p0 =	sne.s32 s2, $0x0  }
0x1db: {  	s3 =	rddreg [dreg:$0x2];
	[bflag:$0x3] =	sbarrier.arrive $0xFFFF;
	s2 =	simm.s32 @!p0 $0x1C06  }
0x1dc: {  	[timem:s3], [sflag:s2] =	dma.local @!p0 [hbm:s0], s1  }
0x1dd: {  	s0 =	simm.s32 @!p0 $0x6  }
0x1de: {  	_ =	swait.ge @!p0 [sflag:s0], s1  }
0x1df: {  	s1 =	ssub.s32 @!p0 $0x0, s1;
	[sflag:s0] =	ssyncset.done @!p0 $0x0  }
0x1e0: {  	[sflag:s0] =	ssyncadd.s32 @!p0 s1  }
0x1e1: {  	[bflag:$0x3] =	sbarrier.arrive $0xFFFF  }
0x1e2: {  	_ =	shalt  }

// kernel: sparse-core-data-format-call.cloned.1.call-start
scs
called_computation_lowered:
.L_overlay_start_0:
0x0: {  	s2 =	sld [smem:$0x3FD9]  }
0x1: {  	s3 =	sld [smem:$0x3FFE];
	_ =	sdelay $0x1  }
0x2: {  	s1 =	srdreg.scid  }
0x3: {  	s0 =	sand.u32 $0x1, s1  }
0x4: {  	s18 =	sshll.u32 s0, $0xA;
	s2 =	sadd.s32 s3, s2  }
0x5: {  	s2 =	sadd.s32 s2, s18  }
0x6: {  	[smem:$0x3FC6] =	sst s2  }
0x7: {  	_ = 	snop  }
0x8: {  	s2 =	sld [smem:$0x3FD0];
	(tm) =	ssettm $0x1  }
0x9: {  	s19 =	sld [smem:$0x3FFB];
	_ =	sdelay $0x3  }
0xa: {  	_ =	strace s19  }
0xb: {  	s3 =	sld [smem:$0x3FFC];
	_ =	sdelay $0x3  }
0xc: {  	_ =	strace s3  }
0xd: {  	s3 =	sld [smem:$0x3FFD];
	_ =	sdelay $0x3  }
0xe: {  	_ =	strace s3  }
0xf: {  	_ =	strace $0x8FFFFFFF  }
0x10: {  	s20 =	sld [smem:$0x3FDB];
	_ =	sdelay $0x1  }
0x11: {  	s4 =	simm.s32 $_scs_section_size  }
0x12: {  	s5 =	simm.s32 $_size__tile_overlayer_lowered;
	s6 =	simm.s32 $_tile_overlayer_lowered  }
0x13: {  	s23 =	simm.s32 $0x1BFF;
	s22 =	sshll.u32 s6, $0x1;
	s3 =	sadd.s32 s4, s20  }
0x14: {  	s7 =	simm.s32 $0x0;
	s21 =	sshll.u32 s5, $0x1;
	s5 =	sadd.s32 s22, s3  }
0x15: {  	[timem:s7], [sflag:s23] =	dma.local [hbm:s5], s21  }
0x16: {  	_ =	swait.ge [sflag:s23], s21  }
0x17: {  	s4 =	ssub.s32 $0x0, s21;
	[sflag:s23] =	ssyncset.done $0x0  }
0x18: {  	[sflag:s23] =	ssyncadd.s32 s4;
	_ =	sdelay $0x1  }
0x19: {  	s24 =	simm.s32 $0x1B8B  }
0x1a: {  	_ =	swait.ge [sflag:s24], $0x1  }
0x1b: {  	[sflag:s24] =	ssyncset.done $0x0  }
0x1c: {  	s26 =	simm.s32 $0x1B8E;
	s25 =	sld [smem:$0x3FFE];
	[sflag:s24] =	ssyncadd.s32 $0xFFFFFFFF  }
0x1d: {  	s27 =	simm.s32 $execute0_lowered;
	[smem:$0x3FD2] =	sst s26  }
0x1e: {  	s5 =	sshll.u32 s27, $0x1;
	_ =	strace $0x80000049;
	[dreg:$0x1] =	wrdreg $0xFFFFFFFF  }
0x1f: {  	s28 =	simm.s32 $_size_execute0_lowered;
	s3 =	sadd.s32 s3, s5;
	[dreg:$0x0] =	wrdreg $0x0  }
0x20: {  	s5 =	sshll.u32 s28, $0x1;
	[dreg:$0x2] =	wrdreg s3  }
0x21: {  	[dreg:$0x3] =	wrdreg s5  }
0x22: {  	[dreg:$0x4] =	wrdreg $0xC0  }
0x23: {  	_ =	task [dreg:s7], $0x5FFFF  }
0x24: {  	[dreg:$0x1] =	wrdreg $0xFFFFFFFF  }
0x25: {  	[dreg:$0x0] =	wrdreg $0x60  }
0x26: {  	[dreg:$0x2] =	wrdreg s25  }
0x27: {  	[dreg:$0x3] =	wrdreg s2  }
0x28: {  	[dreg:$0x4] =	wrdreg $0x9  }
0x29: {  	_ =	task.clear_ibuf [dreg:s7], $0x5FFFF;
	_ =	strace $0x90000049  }
0x2a: {  	s29 =	simm.s32 $0x9;
	_ =	strace $0x8000004B  }
0x2b: {  	_ =	swait.ge [sflag:s29], $0x1  }
0x2c: {  	[sflag:s29] =	ssyncadd.s32 $0xFFFFFFFF  }
0x2d: {  	_ =	strace $0x9000004B  }
0x2e: {  	_ =	sfence  }
0x2f: {  	s30 =	sld [smem:$0x0];
	_ =	sdelay $0x2  }
0x30: {  	s31 =	sshll.u32 s1, $0xD;
	s1 =	sshrl.u32 s1, $0x2  }
0x31: {  	s3 =	sand.u32 $0x4000, s31;
	s1 =	sadd.s32 s1, s30  }
0x32: {  	s0 =	sor.u32 s3, s0;
	s1 =	sshll.u32 s1, $0x11  }
0x33: {  	s0 =	sor.u32 s1, s0  }
0x34: {  	s0 =	sadd.s32 $0x8F2B, s0  }
0x35: {  	[sflag:s0] =	ssyncadd.remote.s32 $0x1  }
0x36: {  	_ =	sfence.sel $0xFFFF  }
0x37: {  	[dreg:$0x0] =	wrdreg $0xFFFFFFFF;
	(pc) =	sbr.abs _section_cstart, $3  }
0x38: {  	[dreg:$0x1] =	wrdreg $0xFFFFFFFF  }
0x39: {  	_ =	task.clear_ibuf [dreg:s7], $0x2FFFF;
	_ =	strace $0x9FFFFFFF  }
0x3a: {  	(tm) =	ssettm $0x7FFFFFFF  }
0x3b: {  	_ =	shalt  }
tec
execute0_lowered:
.L_overlay_start_1:
0x0: {  	(tag) =	ssettag $0x1  }
0x1: {  	s0 =	srdreg.scid;
	s6 =	rddreg [dreg:$0x0]  }
0x2: {  	s3 =	rddreg [dreg:$0x1];
	s1 =	sshll.u32 s0, $0x4  }
0x3: {  	s5 =	simm.s32 $0x1;
	s0 =	stileid.u32;
	s1 =	sand.u32 $0x10, s1  }
0x4: {  	s31 =	simm.s32 $0x2;
	s18 =	simm.s32 $0x0;
	s1 =	sor.u32 s0, s1  }
0x5: {  	s8 =	simm.s32 $0xC8000;
	s17 =	simm.s32 $0x0;
	s2 =	sshll.u32 s1, $0x7  }
0x6: {  	s16 =	simm.s32 $0x0;
	s9 =	simm.s32 $0x0;
	s4 =	ssub.s32 $0x1000, s2  }
0x7: {  	s10 =	simm.s32 $0x0;
	s11 =	simm.s32 $0x0;
	s30 =	sand.u32 $0xF80, s4  }
0x8: {  	s12 =	simm.s32 $0x0;
	s13 =	simm.s32 $0x0;
	p0 =	sne.s32 s30, $0x0  }
.Ltmp0:
0x9: {  	s7 =	sshrl.u32 s4, $0xC;
	s5 =	simm.s32 @!p0 $0x0;
	(pc) =	sbr.rel .LBB1_1-.Ltmp0, $4  }
0xa: {  	s15 =	simm.s32 $0x0;
	s1 =	rddreg [dreg:$0x2];
	s5 =	sadd.s32 s5, s7  }
0xb: {  	_ =	strace $0x8000004A;
	s4 =	simm.s32 $0x1;
	s5 =	smul.u32 $0x258, s5  }
0xc: {  	s6 =	sadd.s32 $0x4AD600, s6;
	s14 =	smov.u32 s2;
	[sflag:s4] =	ssyncpa.u1 $0x0  }
0xd: {  	[sflag:s31] =	ssyncpa.u1 $0x0;
	p0 =	por $0x0, $0x0;
	s7 =	sor.u32 $0x1, s5  }
.LBB1_4:
0xe: {  	s23 =	sshra.s32 s23, $0x2;
	s24 =	sshll.u32 s10, $0xC  }
0xf: {  	p1 =	sgt.s32 s10, $0xC7;
	s26 =	smov.u32 s10;
	s27 =	sshra.s32 s10, $0x1F  }
0x10: {  	s28 =	smov.u32 s9;
	s29 =	sshra.s32 s11, $0x1F;
	s22 =	sadd.s32 s23, s22  }
0x11: {  	s30 =	sand.u32 $0xFFFF8000, s24;
	s24 =	sshll.u32 s11, $0x3;
	s26 =	simm.s32 @!p1 $0xC7  }
0x12: {  	p1 =	sgt.s32 s9, $0xAC;
	s27 =	sand.u32 s27, s10;
	s31 =	sand.u32 s29, s11  }
0x13: {  	s29 =	sshll.u32 s10, $0x7;
	s25 =	sand.u32 $0xFFFFFC00, s24;
	s28 =	simm.s32 @!p1 $0xAC  }
0x14: {  	p1 =	sgt.s32 s11, $0xF80;
	s23 =	sadd.s32 s25, s30;
	s25 =	ssub.s32 s26, s27  }
0x15: {  	[tilespmem:s21+$0x2040 ss:$0x81] =	vst.msk $0xffff, v4;
	s27 =	smov.u32 s11;
	s30 =	sshra.s32 s9, $0x1F;
	s26 =	sadd.s32 $0xFFFFFF39, s25  }
0x16: {  	v5 =	vld [tilespmem:s20+$0xFFFFFFD0];
	[tilespmem:s21+$0x2850 ss:$0x81] =	vst.msk $0xffff, v3;
	s27 =	simm.s32 @!p1 $0xF80;
	s23 =	sshrl.u32 s23, $0xC;
	s25 =	ssub.s32 $0xC8, s25  }
0x17: {  	v58 =	vld [tilespmem:s20+$0xFFFFFFE0];
	[tilespmem:s21+$0x3060 ss:$0x81] =	vst.msk $0xffff, v2;
	p1 =	sgt.s32 s26, $0x0;
	s26 =	ssub.s32 s27, s31;
	s27 =	sand.u32 s30, s9  }
0x18: {  	v59 =	vld [tilespmem:s20+$0xFFFFFFF0];
	[tilespmem:s21+$0x0 ss:$0x81] =	vst.msk $0xffff, v1;
	s21 =	smulhi.u32 $0x147AE15, s23;
	s30 =	sand.u32 $0x78, s11;
	s27 =	ssub.s32 s28, s27  }
0x19: {  	v60 =	vld [tilespmem:s20+$0x0];
	s25 =	simm.s32 @p1 $0x0;
	s31 =	sadd.s32 $0xFFFFF080, s26;
	s26 =	ssub.s32 $0x1000, s26  }
0x1a: {  	v61 =	vld [tilespmem:s20+$0x10];
	[tilespmem:s22+$0x3870 ss:$0x81] =	vst.msk $0xffff, v0;
	p1 =	sgt.s32 s31, $0x7F;
	s28 =	sadd.s32 $0xFFFFFF54, s27;
	s31 =	sand.u32 $0x380, s29  }
0x1b: {  	v62 =	vld [tilespmem:s20+$0x20];
	[tilespmem:s22+$0x810 ss:$0x81] =	vst.msk $0xffff, v5;
	s29 =	sand.u32 $0xC00, s24;
	s21 =	smul.u32 $0xC8, s21;
	s24 =	ssub.s32 $0x12C, s27  }
0x1c: {  	v63 =	vld [tilespmem:s20+$0xFFFFFFC0];
	[tilespmem:s22+$0x1020 ss:$0x81] =	vst.msk $0xffff, v58;
	s26 =	simm.s32 @p1 $0x0;
	s20 =	sor.u32 s30, s29;
	s30 =	smul.u32 $0x19000, s9  }
0x1d: {  	[tilespmem:s22+$0x1830 ss:$0x81] =	vst.msk $0xffff, v59;
	p1 =	sgt.s32 s28, $0x7F;
	s28 =	sand.u32 $0x7, s11;
	s25 =	smul.u32 s26, s25  }
0x1e: {  	[tilespmem:s22+$0x2040 ss:$0x81] =	vst.msk $0xffff, v60;
	s24 =	simm.s32 @p1 $0x0;
	s20 =	sor.u32 s31, s20;
	s21 =	ssub.s32 s23, s21  }
0x1f: {  	[tilespmem:s22+$0x2850 ss:$0x81] =	vst.msk $0xffff, v61;
	s20 =	sshrl.u32 s20, $0x3;
	s27 =	sadd.s32 s3, s30;
	s31 =	smul.u32 s24, s25  }
0x20: {  	[tilespmem:s22+$0x3060 ss:$0x81] =	vst.msk $0xffff, v62;
	s29 =	sshll.u32 s28, $0x12;
	s21 =	sshll.u32 s21, $0x9;
	s20 =	sadd.s32 s20, s27  }
0x21: {  	[tilespmem:s22+$0x0 ss:$0x81] =	vst.msk $0xffff, v63;
	s20 =	sadd.s32 s21, s20;
	s30 =	sand.u32 $0x3FFFFFFF, s31;
	s31 =	sor.u32 $0x80, s29  }
0x22: {  	[hbm4b:s20+s31] =	stream.strided.scatter [tilespmem:s19], [sflag:$0x2], s30, s8, s31, $0x20;
	[tilespmem:$0x10100] =	vst v63  }
.LBB1_5:
0x23: {  	p1 =	slt.u32 s15, $0x2  }
0x24: {  	p2 =	sgt.s32 @!p1 s18, $0xAC  }
0x25: {  	s19 =	smov.u32 s18;
	s20 =	sshra.s32 @!p1 s18, $0x1F;
	p2 =	por !p2, p1  }
0x26: {  	s18 =	sand.u32 @!p1 s20, s18;
	s19 =	simm.s32 @p2 $0xAC  }
0x27: {  	s20 =	sshra.s32 @!p1 s17, $0x1F;
	p2 =	sgt.s32 @!p1 s17, $0xC7;
	s18 =	ssub.s32 @!p1 s19, s18  }
0x28: {  	p2 =	por !p2, p1;
	s19 =	smov.u32 s17;
	s17 =	sand.u32 @!p1 s20, s17  }
0x29: {  	s20 =	sshra.s32 @!p1 s16, $0x1F;
	s19 =	simm.s32 @p2 $0xC7;
	p2 =	sgt.s32 @!p1 s16, $0xF80  }
0x2a: {  	s17 =	ssub.s32 @!p1 s19, s17;
	p2 =	por !p2, p1;
	s19 =	smov.u32 s16  }
0x2b: {  	s16 =	sand.u32 @!p1 s20, s16;
	s20 =	sadd.s32 @!p1 $0xFFFFFF39, s17;
	s19 =	simm.s32 @p2 $0xF80  }
0x2c: {  	p2 =	sgt.s32 @!p1 s20, $0x0;
	s16 =	ssub.s32 @!p1 s19, s16  }
0x2d: {  	s17 =	ssub.s32 @!p1 $0xC8, s17;
	p2 =	por !p2, p1;
	s19 =	sadd.s32 @!p1 $0xFFFFF080, s16  }
0x2e: {  	s17 =	simm.s32 @!p2 $0x0;
	p2 =	sgt.s32 @!p1 s19, $0x7F  }
0x2f: {  	s21 =	smov.u32 s14;
	s16 =	ssub.s32 @!p1 $0x1000, s16;
	p2 =	por !p2, p1  }
0x30: {  	s20 =	sadd.s32 @!p1 $0xFFFFFF54, s18;
	s19 =	sadd.s32 $0x80, s12;
	s16 =	simm.s32 @!p2 $0x0  }
0x31: {  	p2 =	sgt.s32 s19, $0x12B;
	s16 =	smul.u32 @!p1 s16, s17;
	s17 =	simm.s32 $0x1  }
0x32: {  	p0 =	por !p0, !p0;
	p3 =	sgt.s32 @!p1 s20, $0x7F;
	s17 =	simm.s32 @!p2 $0x0  }
0x33: {  	s18 =	ssub.s32 @!p1 $0x12C, s18;
	p3 =	por !p3, p1;
	s20 =	sadd.s32 s17, s13  }
0x34: {  	s18 =	simm.s32 @!p3 $0x0;
	s17 =	sadd.s32 $0x1000, s14;
	p3 =	sgt.s32 s20, $0xC7  }
0x35: {  	s22 =	simm.s32 @!p1 $0x2;
	s19 =	simm.s32 @p2 $0x0;
	s21 =	smov.u32 @p3 s17  }
0x36: {  	s16 =	smul.u32 @!p1 s18, s16;
	s18 =	smov.u32 s9;
	p2 =	sgt.s32 s21, $0xFFF  }
0x37: {  	s9 =	smov.u32 s12;
	s21 =	smov.u32 @p2 s2;
	p2 =	sne.s32 s15, s7  }
.Ltmp1:
0x38: {  	s12 =	smov.u32 s19;
	s16 =	sand.u32 @!p1 $0x3FFFFFFF, s16;
	(pc) =	sbr.rel @!p2 .LBB1_6-.Ltmp1, $4  }
0x39: {  	s20 =	simm.s32 @p3 $0x0;
	s17 =	smov.u32 s10;
	s10 =	smov.u32 s13  }
0x3a: {  	_ =	swait.ge @!p1 [sflag:s22], s16;
	s23 =	ssub.s32 @!p1 $0x0, s16;
	s16 =	smov.u32 s11  }
0x3b: {  	s11 =	smov.u32 s14;
	s13 =	smov.u32 s20;
	[sflag:s22] =	ssyncset.done @!p1 $0x0  }
0x3c: {  	s15 =	sadd.s32 $0x1, s15;
	[sflag:s22] =	ssyncadd.s32 @!p1 s23;
	s14 =	smov.u32 s21  }
.LBB1_1:
0x3d: {  	p1 =	sge.u32 s15, s5  }
0x3e: {  	s19 =	sshrl.u32 @!p1 s13, $0x3  }
0x3f: {  	s20 =	sshll.u32 @!p1 s12, $0x3;
	s19 =	smul.u32 @!p1 $0xC00, s19  }
0x40: {  	s21 =	sshll.u32 @!p1 s13, $0x7;
	s20 =	sand.u32 @!p1 $0xFFFFFC00, s20  }
0x41: {  	s19 =	sadd.s32 @!p1 s19, s20;
	s20 =	sand.u32 @!p1 $0x380, s21  }
0x42: {  	s19 =	sor.u32 @!p1 s20, s19  }
0x43: {  	s20 =	sand.u32 @!p1 $0x7F, s12;
	s21 =	smulhi.u32 @!p1 $0xAAAAAAAB, s19  }
0x44: {  	s19 =	sor.u32 @!p1 s20, s19  }
0x45: {  	s20 =	smulhi.u32 @!p1 $0xAAAAAAAB, s19;
	s21 =	sshrl.u32 @!p1 s21, $0x8  }
0x46: {  	s22 =	smulhi.u32 @!p1 $0x147AE15, s21;
	_ =	sdelay $0x1  }
0x47: {  	s20 =	sshrl.u32 @!p1 s20, $0x8;
	s22 =	smul.u32 @!p1 $0xC8, s22  }
0x48: {  	s31 =	sadd.s32 $0xFFFFFFFF, s15;
	s20 =	smul.u32 @!p1 $0x180, s20  }
0x49: {  	s23 =	sxor.u32 @!p1 $0xFFFFFFFF, s15;
	s21 =	ssub.s32 @!p1 s21, s22;
	s22 =	smul.u32 @!p1 $0x2580, s14  }
0x4a: {  	s23 =	sshll.u32 @!p1 s23, $0xE;
	s19 =	ssub.s32 @!p1 s19, s20;
	s20 =	smul.u32 @!p1 $0x30, s21  }
0x4b: {  	s21 =	sand.u32 @!p1 $0x4000, s23;
	s23 =	sand.u32 @!p1 $0x7, s19;
	s22 =	sadd.s32 @!p1 s6, s22  }
0x4c: {  	s19 =	sshrl.u32 @!p1 s19, $0x3;
	s20 =	sadd.s32 @!p1 s20, s22;
	s22 =	sshll.u32 @!p1 s23, $0x12  }
0x4d: {  	s19 =	sadd.s32 @!p1 s19, s20;
	s20 =	sor.u32 @!p1 $0x80, s22;
	s22 =	simm.s32 @!p1 $0x12C00  }
0x4e: {  	[tilespmem:s21], [sflag:$0x1] =	stream.strided.gather @!p1 [hbm4b:s19+s20], $0x4000, s22, s20, $0x38;
	[tilespmem:$0x10100] =	vst v63  }
0x4f: {  	p1 =	sge.u32 s31, s5  }
.Ltmp2:
0x50: {  	_ = 	snop;
	(pc) =	sbr.rel @p1 .LBB1_5-.Ltmp2, $1  }
0x51: {  	_ =	sdelay $0x3  }
0x52: {  	s19 =	simm.s32 $0x1  }
0x53: {  	_ =	swait.ge [sflag:s4], $0x4000;
	s19 =	simm.s32 @!p0 $0x0  }
0x54: {  	[sflag:s4] =	ssyncset.done $0x0;
	s20 =	sshll.u32 s19, $0xE  }
0x55: {  	[sflag:s4] =	ssyncadd.s32 $0xFFFFC000;
	s20 =	sor.u32 $0x40, s20  }
0x56: {  	s19 =	smul.u32 $0x10200, s19;
	v0 =	vld [tilespmem:s20+$0x30]  }
0x57: {  	v1 =	vld [tilespmem:s20+$0xFFFFFFD0]  }
0x58: {  	s19 =	sshrl.u32 s19, $0x2;
	v5 =	vld [tilespmem:s20+$0xFFFFFFE0]  }
0x59: {  	v6 =	vld [tilespmem:s20+$0xFFFFFFF0];
	s22 =	sor.u32 $0x8000, s19  }
0x5a: {  	s31 =	sand.u32 $0x1, s15;
	v4 =	vld [tilespmem:s20+$0x0];
	s21 =	sadd.s32 $0x0, s22  }
0x5b: {  	v3 =	vld [tilespmem:s20+$0x10];
	s19 =	smul.u32 $0x10200, s31;
	[tilespmem:s21+$0x3870 ss:$0x81] =	vst.msk $0xffff, v0  }
0x5c: {  	v2 =	vld [tilespmem:s20+$0x20];
	[tilespmem:s21+$0x810 ss:$0x81] =	vst.msk $0xffff, v1  }
0x5d: {  	s19 =	sshrl.u32 s19, $0x2;
	v1 =	vld [tilespmem:s20+$0xFFFFFFC0];
	[tilespmem:s21+$0x1020 ss:$0x81] =	vst.msk $0xffff, v5;
	s20 =	sadd.s32 $0x80, s20  }
0x5e: {  	s23 =	simm.s32 $0x4;
	s24 =	simm.s32 $0x8;
	s19 =	sor.u32 $0x8000, s19;
	[tilespmem:s21+$0x1830 ss:$0x81] =	vst.msk $0xffff, v6;
	v0 =	vld [tilespmem:s20+$0x30]  }
.LBB1_3:
0x5f: {  	p1 =	sne.s32 s24, $0x1FC;
	v5 =	vld [tilespmem:s20+$0xFFFFFFD0];
	[tilespmem:s21+$0x2040 ss:$0x81] =	vst.msk $0xffff, v4  }
0x60: {  	v6 =	vld [tilespmem:s20+$0xFFFFFFE0];
	[tilespmem:s21+$0x2850 ss:$0x81] =	vst.msk $0xffff, v3  }
0x61: {  	s25 =	sshra.s32 s23, $0x2;
	s23 =	smov.u32 s24;
	v7 =	vld [tilespmem:s20+$0xFFFFFFF0];
	[tilespmem:s21+$0x3060 ss:$0x81] =	vst.msk $0xffff, v2  }
.Ltmp3:
0x62: {  	v4 =	vld [tilespmem:s20+$0x0];
	[tilespmem:s21+$0x0 ss:$0x81] =	vst.msk $0xffff, v1;
	s21 =	sadd.s32 s25, s22;
	(pc) =	sbr.rel @p1 .LBB1_3-.Ltmp3, $4  }
0x63: {  	v3 =	vld [tilespmem:s20+$0x10];
	[tilespmem:s21+$0x3870 ss:$0x81] =	vst.msk $0xffff, v0  }
0x64: {  	[tilespmem:s21+$0x810 ss:$0x81] =	vst.msk $0xffff, v5;
	v2 =	vld [tilespmem:s20+$0x20]  }
0x65: {  	v1 =	vld [tilespmem:s20+$0xFFFFFFC0];
	[tilespmem:s21+$0x1020 ss:$0x81] =	vst.msk $0xffff, v6;
	s20 =	sadd.s32 $0x80, s20  }
0x66: {  	s24 =	sadd.s32 $0x4, s24;
	v0 =	vld [tilespmem:s20+$0x30];
	[tilespmem:s21+$0x1830 ss:$0x81] =	vst.msk $0xffff, v7  }
.Ltmp4:
0x67: {  	_ = 	snop;
	(pc) =	sbr.rel .LBB1_4-.Ltmp4, $1  }
0x68: {  	_ =	sdelay $0x3  }
.LBB1_6:
0x69: {  	_ =	sfence.sel $0x180000  }
0x6a: {  	s2 =	simm.s32 $0x1;
	[bflag:$0x0] =	sbarrier.arrive $0xFFFF  }
0x6b: {  	s31 =	simm.s32 $0x2;
	[sflag:s2] =	ssyncpa.u1 $0x1  }
0x6c: {  	[sflag:s31] =	ssyncpa.u1 $0x1  }
0x6d: {  	p0 =	sne.s32 s0, $0x0;
	_ =	strace $0x9000004A  }
0x6e: {  	s0 =	sadd.s32 @!p0 $0x100000, s1;
	[bflag:$0x2] =	sbarrier.arrive $0xFFFF  }
0x6f: {  	[sflag:s0] =	ssyncadd.tile.s32 @!p0 $0x1;
	_ =	shalt  }
.Lfunc_end1:
_tile_overlayer_lowered:
.L_overlay_start_2:
0x70: {  	(tag) =	ssettag $0x2  }
0x71: {  	s0 =	rddreg [dreg:$0x0];
	s2 =	stileid.u32  }
0x72: {  	s1 =	rddreg [dreg:$0x1];
	p0 =	sne.s32 s2, $0x0  }
0x73: {  	s3 =	rddreg [dreg:$0x2];
	[bflag:$0x3] =	sbarrier.arrive $0xFFFF;
	s2 =	simm.s32 @!p0 $0x1C01  }
0x74: {  	[timem:s3], [sflag:s2] =	dma.local @!p0 [hbm:s0], s1  }
0x75: {  	s0 =	simm.s32 @!p0 $0x1  }
0x76: {  	_ =	swait.ge @!p0 [sflag:s0], s1  }
0x77: {  	s1 =	ssub.s32 @!p0 $0x0, s1;
	[sflag:s0] =	ssyncset.done @!p0 $0x0  }
0x78: {  	[sflag:s0] =	ssyncadd.s32 @!p0 s1  }
0x79: {  	[bflag:$0x3] =	sbarrier.arrive $0xFFFF  }
0x7a: {  	_ =	shalt  }

</sc_bundles>
